<compile_context>
chip_gen: v7x
topology: tpu7x:2x2x1
jax: 0.10.2.dev20260603
libtpu: 0.0.44.dev20260713+nightly
codegen_flags: <defaults>
</compile_context>

<pallas_src>
import functools

import jax
import jax.numpy as jnp
from jax import lax
from jax.experimental import pallas as pl
from jax.experimental.pallas import tpu as pltpu
from jax.experimental.pallas import tpu_sc as plsc

_info = plsc.get_sparse_core_info()
_NC = _info.num_cores
_NS = _info.num_subcores
_NW = _NC * _NS
_CHUNK = 8
_NBUF = 4


@functools.lru_cache(maxsize=None)
def _make_gather(batch, hist, dim):
    rows_per_w = batch // _NW
    n_chunks = rows_per_w // _CHUNK
    n_steady = n_chunks - _NBUF
    assert n_chunks * _CHUNK == rows_per_w and n_steady % _NBUF == 0

    mesh = plsc.VectorSubcoreMesh(core_axis_name="c", subcore_axis_name="s")

    @functools.partial(
        pl.kernel,
        mesh=mesh,
        out_type=jax.ShapeDtypeStruct((batch, hist, dim), jnp.float32),
        scratch_types=[
            pltpu.VMEM((rows_per_w, hist), jnp.int32),
            *[pltpu.VMEM((_CHUNK, hist, dim), jnp.float32) for _ in range(_NBUF)],
            *[pltpu.SemaphoreType.DMA for _ in range(2 * _NBUF)],
        ],
        compiler_params=pltpu.CompilerParams(use_tc_tiling_on_sc=False),
    )
    def gather_kernel(idx_hbm, table_hbm, out_hbm, idx_v, *bufs_and_sems):
        rows_v = bufs_and_sems[:_NBUF]
        gsem = bufs_and_sems[_NBUF:2 * _NBUF]
        ssem = bufs_and_sems[2 * _NBUF:]
        wid = lax.axis_index("s") * _NC + lax.axis_index("c")
        row_base = wid * rows_per_w

        pltpu.sync_copy(idx_hbm.at[pl.ds(row_base, rows_per_w)], idx_v)

        def fire_gathers(ci, b):
            for r in range(_CHUNK):
                pltpu.async_copy(
                    table_hbm.at[idx_v.at[ci * _CHUNK + r]],
                    rows_v[b].at[r],
                    gsem[b],
                )

        def drain_gathers(b):
            pltpu.make_async_copy(
                out_hbm.at[pl.ds(0, _CHUNK)], rows_v[b], gsem[b]
            ).wait()

        def fire_store(ci, b):
            pltpu.async_copy(
                rows_v[b],
                out_hbm.at[pl.ds(row_base + ci * _CHUNK, _CHUNK)],
                ssem[b],
            )

        def wait_store(ci, b):
            pltpu.make_async_copy(
                rows_v[b],
                out_hbm.at[pl.ds(row_base + ci * _CHUNK, _CHUNK)],
                ssem[b],
            ).wait()

        for b in range(_NBUF):
            fire_gathers(b, b)

        def body(i, carry):
            t = i * _NBUF
            for b in range(_NBUF):
                ci = t + b
                drain_gathers(b)
                fire_store(ci, b)
                wait_store(ci, b)
                fire_gathers(ci + _NBUF, b)
            return carry

        lax.fori_loop(0, n_steady // _NBUF, body, 0)

        for b in range(_NBUF):
            ci = n_steady + b
            drain_gathers(b)
            fire_store(ci, b)
            wait_store(ci, b)

    return gather_kernel


def kernel(news_ids, table):
    batch, hist = news_ids.shape
    _, dim = table.shape
    return _make_gather(batch, hist, dim)(news_ids, table)

# --- scband reference (transcript-rebuilt; emitter-appended) ---
"""Pipeline reference for scband-news-embedding-24833500905591 (READ-ONLY COPY).

The authoritative reference and input builder live on the scoring server;
editing this copy changes nothing except your own understanding.
"""

import jax, jax.numpy as jnp
import numpy as np

NUM_NEWS = 1000000
EMBED_DIM = 32
BATCH = 16384
HIST_LEN = 50


def setup_inputs(seed: int = 0) -> dict:
    key = jax.random.key(seed)
    k1, k2 = jax.random.split(key)
    news_ids = jax.random.randint(k1, (BATCH, HIST_LEN), 0, NUM_NEWS, dtype=jnp.int64 if jax.config.jax_enable_x64 else jnp.int32).astype(jnp.int32)
    table = jax.random.normal(k2, (NUM_NEWS, EMBED_DIM), dtype=jnp.float32)
    # padding_idx=0: row 0 is zeroed (matches nn.Embedding(padding_idx=0) init behavior)
    table = table.at[0].set(0.0)
    return {"news_ids": news_ids, "table": table}


def reference(news_ids, table):
    # nn.Embedding lookup: (B, L) -> (B, L, D)
    return jnp.take(table, news_ids, axis=0)

if __name__ == "__main__":
    import jax
    _d = setup_inputs()
    print(jax.jit(kernel)(*tuple(_d.values())))

</pallas_src>

<mosaic_0001>
#map = affine_map<(d0, d1) -> (0, 0)>
#map1 = affine_map<(d0, d1) -> (0, 0, 0)>
module attributes {stable_mosaic.version = 14 : i64} {
  func.func @gather_kernel(%arg0: i32, %arg1: i32, %arg2: memref<16384x50xi32, #tpu.memory_space<hbm>>, %arg3: memref<1000000x32xf32, #tpu.memory_space<hbm>>, %arg4: memref<16384x50x32xf32, #tpu.memory_space<hbm>>, %arg5: memref<512x50xi32, #tpu.memory_space<vmem>>, %arg6: memref<8x50x32xf32, #tpu.memory_space<vmem>>, %arg7: memref<8x50x32xf32, #tpu.memory_space<vmem>>, %arg8: memref<8x50x32xf32, #tpu.memory_space<vmem>>, %arg9: memref<8x50x32xf32, #tpu.memory_space<vmem>>, %arg10: memref<!tpu.dma_semaphore, #tpu.memory_space<semaphore_mem>>, %arg11: memref<!tpu.dma_semaphore, #tpu.memory_space<semaphore_mem>>, %arg12: memref<!tpu.dma_semaphore, #tpu.memory_space<semaphore_mem>>, %arg13: memref<!tpu.dma_semaphore, #tpu.memory_space<semaphore_mem>>, %arg14: memref<!tpu.dma_semaphore, #tpu.memory_space<semaphore_mem>>, %arg15: memref<!tpu.dma_semaphore, #tpu.memory_space<semaphore_mem>>, %arg16: memref<!tpu.dma_semaphore, #tpu.memory_space<semaphore_mem>>, %arg17: memref<!tpu.dma_semaphore, #tpu.memory_space<semaphore_mem>>) attributes {dimension_semantics = [#tpu.dimension_semantics<core_parallel>, #tpu.dimension_semantics<subcore_parallel>], iteration_bounds = array<i64: 2, 16>, scalar_prefetch = 0 : i64, scratch_operands = 13 : i64, tpu.core_type = #tpu.core_type<sc_vector_subcore>, window_params = [{transform_indices = #map}, {transform_indices = #map}, {transform_indices = #map1}]} {
    %mul3A = arith.constant 2 : i32
    %mul3A_0 = arith.muli %arg1, %mul3A : i32
    %add3A = arith.addi %mul3A_0, %arg0 : i32
    %mul3A_1 = arith.constant 512 : i32
    %mul3A_2 = arith.muli %add3A, %mul3A_1 : i32
    "tpu.region"() ({
      %run_scoped3A = tpu.sem_alloc : memref<!tpu.dma_semaphore, #tpu.memory_space<semaphore_mem>>
      %dma_start3A_486 = arith.constant 0 : i32
      %dma_start3A_487 = tpu.memref_slice %arg2[%mul3A_2, %dma_start3A_486] : memref<16384x50xi32, #tpu.memory_space<hbm>> -> memref<512x50xi32, #tpu.memory_space<hbm>>
      %dma_start3A_488 = arith.constant 0 : i32
      %dma_start3A_489 = tpu.memref_slice %arg2[%mul3A_2, %dma_start3A_488] : memref<16384x50xi32, #tpu.memory_space<hbm>> -> memref<512x50xi32, #tpu.memory_space<hbm>>
      tpu.enqueue_dma source(%dma_start3A_489 : memref<512x50xi32, #tpu.memory_space<hbm>>) target(%arg5 : memref<512x50xi32, #tpu.memory_space<vmem>>) target_semaphore(%run_scoped3A : memref<!tpu.dma_semaphore, #tpu.memory_space<semaphore_mem>>)
      %dma_wait3A_490 = arith.constant 0 : i32
      %dma_wait3A_491 = tpu.memref_slice %arg2[%mul3A_2, %dma_wait3A_490] : memref<16384x50xi32, #tpu.memory_space<hbm>> -> memref<512x50xi32, #tpu.memory_space<hbm>>
      %dma_wait3A_492 = arith.constant 0 : i32
      %dma_wait3A_493 = tpu.memref_slice %arg2[%mul3A_2, %dma_wait3A_492] : memref<16384x50xi32, #tpu.memory_space<hbm>> -> memref<512x50xi32, #tpu.memory_space<hbm>>
      tpu.wait_dma2 semaphore(%run_scoped3A : memref<!tpu.dma_semaphore, #tpu.memory_space<semaphore_mem>>) src(%dma_wait3A_493 : memref<512x50xi32, #tpu.memory_space<hbm>>) dst(%arg5 : memref<512x50xi32, #tpu.memory_space<vmem>>)
      tpu.yield
    }) : () -> ()
    %dma_start3A = arith.constant 0 : i32
    %dma_start3A_3 = arith.constant 0 : i32
    %dma_start3A_4 = arith.constant 0 : i32
    %dma_start3A_5 = arith.constant 0 : i32
    %dma_start3A_6 = tpu.memref_slice %arg6[%dma_start3A_3, %dma_start3A_4, %dma_start3A_5] : memref<8x50x32xf32, #tpu.memory_space<vmem>> -> memref<1x50x32xf32, #tpu.memory_space<vmem>>
    %dma_start3A_7 = tpu.memref_squeeze %dma_start3A_6 : memref<1x50x32xf32, #tpu.memory_space<vmem>> -> memref<50x32xf32, #tpu.memory_space<vmem>>
    %dma_start3A_8 = arith.constant 0 : i32
    %dma_start3A_9 = tpu.memref_slice %arg5[%dma_start3A, %dma_start3A_8] : memref<512x50xi32, #tpu.memory_space<vmem>> -> memref<1x50xi32, #tpu.memory_space<vmem>>
    %dma_start3A_10 = tpu.memref_squeeze %dma_start3A_9 : memref<1x50xi32, #tpu.memory_space<vmem>> -> memref<50xi32, #tpu.memory_space<vmem>>
    %dma_start3A_11 = arith.constant 0 : i32
    %dma_start3A_12 = arith.constant 0 : i32
    %dma_start3A_13 = tpu.memref_slice %arg3[%dma_start3A_11, %dma_start3A_12] : memref<1000000x32xf32, #tpu.memory_space<hbm>> -> memref<1000000x32xf32, #tpu.memory_space<hbm>>
    tpu.enqueue_indirect_dma source(%dma_start3A_13 : memref<1000000x32xf32, #tpu.memory_space<hbm>>) target(%dma_start3A_7 : memref<50x32xf32, #tpu.memory_space<vmem>>) offsets(%dma_start3A_10 : memref<50xi32, #tpu.memory_space<vmem>>) semaphore(%arg10 : memref<!tpu.dma_semaphore, #tpu.memory_space<semaphore_mem>>)
    %dma_start3A_14 = arith.constant 1 : i32
    %dma_start3A_15 = arith.constant 1 : i32
    %dma_start3A_16 = arith.constant 0 : i32
    %dma_start3A_17 = arith.constant 0 : i32
    %dma_start3A_18 = tpu.memref_slice %arg6[%dma_start3A_15, %dma_start3A_16, %dma_start3A_17] : memref<8x50x32xf32, #tpu.memory_space<vmem>> -> memref<1x50x32xf32, #tpu.memory_space<vmem>>
    %dma_start3A_19 = tpu.memref_squeeze %dma_start3A_18 : memref<1x50x32xf32, #tpu.memory_space<vmem>> -> memref<50x32xf32, #tpu.memory_space<vmem>>
    %dma_start3A_20 = arith.constant 0 : i32
    %dma_start3A_21 = tpu.memref_slice %arg5[%dma_start3A_14, %dma_start3A_20] : memref<512x50xi32, #tpu.memory_space<vmem>> -> memref<1x50xi32, #tpu.memory_space<vmem>>
    %dma_start3A_22 = tpu.memref_squeeze %dma_start3A_21 : memref<1x50xi32, #tpu.memory_space<vmem>> -> memref<50xi32, #tpu.memory_space<vmem>>
    %dma_start3A_23 = arith.constant 0 : i32
    %dma_start3A_24 = arith.constant 0 : i32
    %dma_start3A_25 = tpu.memref_slice %arg3[%dma_start3A_23, %dma_start3A_24] : memref<1000000x32xf32, #tpu.memory_space<hbm>> -> memref<1000000x32xf32, #tpu.memory_space<hbm>>
    tpu.enqueue_indirect_dma source(%dma_start3A_25 : memref<1000000x32xf32, #tpu.memory_space<hbm>>) target(%dma_start3A_19 : memref<50x32xf32, #tpu.memory_space<vmem>>) offsets(%dma_start3A_22 : memref<50xi32, #tpu.memory_space<vmem>>) semaphore(%arg10 : memref<!tpu.dma_semaphore, #tpu.memory_space<semaphore_mem>>)
    %dma_start3A_26 = arith.constant 2 : i32
    %dma_start3A_27 = arith.constant 2 : i32
    %dma_start3A_28 = arith.constant 0 : i32
    %dma_start3A_29 = arith.constant 0 : i32
    %dma_start3A_30 = tpu.memref_slice %arg6[%dma_start3A_27, %dma_start3A_28, %dma_start3A_29] : memref<8x50x32xf32, #tpu.memory_space<vmem>> -> memref<1x50x32xf32, #tpu.memory_space<vmem>>
    %dma_start3A_31 = tpu.memref_squeeze %dma_start3A_30 : memref<1x50x32xf32, #tpu.memory_space<vmem>> -> memref<50x32xf32, #tpu.memory_space<vmem>>
    %dma_start3A_32 = arith.constant 0 : i32
    %dma_start3A_33 = tpu.memref_slice %arg5[%dma_start3A_26, %dma_start3A_32] : memref<512x50xi32, #tpu.memory_space<vmem>> -> memref<1x50xi32, #tpu.memory_space<vmem>>
    %dma_start3A_34 = tpu.memref_squeeze %dma_start3A_33 : memref<1x50xi32, #tpu.memory_space<vmem>> -> memref<50xi32, #tpu.memory_space<vmem>>
    %dma_start3A_35 = arith.constant 0 : i32
    %dma_start3A_36 = arith.constant 0 : i32
    %dma_start3A_37 = tpu.memref_slice %arg3[%dma_start3A_35, %dma_start3A_36] : memref<1000000x32xf32, #tpu.memory_space<hbm>> -> memref<1000000x32xf32, #tpu.memory_space<hbm>>
    tpu.enqueue_indirect_dma source(%dma_start3A_37 : memref<1000000x32xf32, #tpu.memory_space<hbm>>) target(%dma_start3A_31 : memref<50x32xf32, #tpu.memory_space<vmem>>) offsets(%dma_start3A_34 : memref<50xi32, #tpu.memory_space<vmem>>) semaphore(%arg10 : memref<!tpu.dma_semaphore, #tpu.memory_space<semaphore_mem>>)
    %dma_start3A_38 = arith.constant 3 : i32
    %dma_start3A_39 = arith.constant 3 : i32
    %dma_start3A_40 = arith.constant 0 : i32
    %dma_start3A_41 = arith.constant 0 : i32
    %dma_start3A_42 = tpu.memref_slice %arg6[%dma_start3A_39, %dma_start3A_40, %dma_start3A_41] : memref<8x50x32xf32, #tpu.memory_space<vmem>> -> memref<1x50x32xf32, #tpu.memory_space<vmem>>
    %dma_start3A_43 = tpu.memref_squeeze %dma_start3A_42 : memref<1x50x32xf32, #tpu.memory_space<vmem>> -> memref<50x32xf32, #tpu.memory_space<vmem>>
    %dma_start3A_44 = arith.constant 0 : i32
    %dma_start3A_45 = tpu.memref_slice %arg5[%dma_start3A_38, %dma_start3A_44] : memref<512x50xi32, #tpu.memory_space<vmem>> -> memref<1x50xi32, #tpu.memory_space<vmem>>
    %dma_start3A_46 = tpu.memref_squeeze %dma_start3A_45 : memref<1x50xi32, #tpu.memory_space<vmem>> -> memref<50xi32, #tpu.memory_space<vmem>>
    %dma_start3A_47 = arith.constant 0 : i32
    %dma_start3A_48 = arith.constant 0 : i32
    %dma_start3A_49 = tpu.memref_slice %arg3[%dma_start3A_47, %dma_start3A_48] : memref<1000000x32xf32, #tpu.memory_space<hbm>> -> memref<1000000x32xf32, #tpu.memory_space<hbm>>
    tpu.enqueue_indirect_dma source(%dma_start3A_49 : memref<1000000x32xf32, #tpu.memory_space<hbm>>) target(%dma_start3A_43 : memref<50x32xf32, #tpu.memory_space<vmem>>) offsets(%dma_start3A_46 : memref<50xi32, #tpu.memory_space<vmem>>) semaphore(%arg10 : memref<!tpu.dma_semaphore, #tpu.memory_space<semaphore_mem>>)
    %dma_start3A_50 = arith.constant 4 : i32
    %dma_start3A_51 = arith.constant 4 : i32
    %dma_start3A_52 = arith.constant 0 : i32
    %dma_start3A_53 = arith.constant 0 : i32
    %dma_start3A_54 = tpu.memref_slice %arg6[%dma_start3A_51, %dma_start3A_52, %dma_start3A_53] : memref<8x50x32xf32, #tpu.memory_space<vmem>> -> memref<1x50x32xf32, #tpu.memory_space<vmem>>
    %dma_start3A_55 = tpu.memref_squeeze %dma_start3A_54 : memref<1x50x32xf32, #tpu.memory_space<vmem>> -> memref<50x32xf32, #tpu.memory_space<vmem>>
    %dma_start3A_56 = arith.constant 0 : i32
    %dma_start3A_57 = tpu.memref_slice %arg5[%dma_start3A_50, %dma_start3A_56] : memref<512x50xi32, #tpu.memory_space<vmem>> -> memref<1x50xi32, #tpu.memory_space<vmem>>
    %dma_start3A_58 = tpu.memref_squeeze %dma_start3A_57 : memref<1x50xi32, #tpu.memory_space<vmem>> -> memref<50xi32, #tpu.memory_space<vmem>>
    %dma_start3A_59 = arith.constant 0 : i32
    %dma_start3A_60 = arith.constant 0 : i32
    %dma_start3A_61 = tpu.memref_slice %arg3[%dma_start3A_59, %dma_start3A_60] : memref<1000000x32xf32, #tpu.memory_space<hbm>> -> memref<1000000x32xf32, #tpu.memory_space<hbm>>
    tpu.enqueue_indirect_dma source(%dma_start3A_61 : memref<1000000x32xf32, #tpu.memory_space<hbm>>) target(%dma_start3A_55 : memref<50x32xf32, #tpu.memory_space<vmem>>) offsets(%dma_start3A_58 : memref<50xi32, #tpu.memory_space<vmem>>) semaphore(%arg10 : memref<!tpu.dma_semaphore, #tpu.memory_space<semaphore_mem>>)
    %dma_start3A_62 = arith.constant 5 : i32
    %dma_start3A_63 = arith.constant 5 : i32
    %dma_start3A_64 = arith.constant 0 : i32
    %dma_start3A_65 = arith.constant 0 : i32
    %dma_start3A_66 = tpu.memref_slice %arg6[%dma_start3A_63, %dma_start3A_64, %dma_start3A_65] : memref<8x50x32xf32, #tpu.memory_space<vmem>> -> memref<1x50x32xf32, #tpu.memory_space<vmem>>
    %dma_start3A_67 = tpu.memref_squeeze %dma_start3A_66 : memref<1x50x32xf32, #tpu.memory_space<vmem>> -> memref<50x32xf32, #tpu.memory_space<vmem>>
    %dma_start3A_68 = arith.constant 0 : i32
    %dma_start3A_69 = tpu.memref_slice %arg5[%dma_start3A_62, %dma_start3A_68] : memref<512x50xi32, #tpu.memory_space<vmem>> -> memref<1x50xi32, #tpu.memory_space<vmem>>
    %dma_start3A_70 = tpu.memref_squeeze %dma_start3A_69 : memref<1x50xi32, #tpu.memory_space<vmem>> -> memref<50xi32, #tpu.memory_space<vmem>>
    %dma_start3A_71 = arith.constant 0 : i32
    %dma_start3A_72 = arith.constant 0 : i32
    %dma_start3A_73 = tpu.memref_slice %arg3[%dma_start3A_71, %dma_start3A_72] : memref<1000000x32xf32, #tpu.memory_space<hbm>> -> memref<1000000x32xf32, #tpu.memory_space<hbm>>
    tpu.enqueue_indirect_dma source(%dma_start3A_73 : memref<1000000x32xf32, #tpu.memory_space<hbm>>) target(%dma_start3A_67 : memref<50x32xf32, #tpu.memory_space<vmem>>) offsets(%dma_start3A_70 : memref<50xi32, #tpu.memory_space<vmem>>) semaphore(%arg10 : memref<!tpu.dma_semaphore, #tpu.memory_space<semaphore_mem>>)
    %dma_start3A_74 = arith.constant 6 : i32
    %dma_start3A_75 = arith.constant 6 : i32
    %dma_start3A_76 = arith.constant 0 : i32
    %dma_start3A_77 = arith.constant 0 : i32
    %dma_start3A_78 = tpu.memref_slice %arg6[%dma_start3A_75, %dma_start3A_76, %dma_start3A_77] : memref<8x50x32xf32, #tpu.memory_space<vmem>> -> memref<1x50x32xf32, #tpu.memory_space<vmem>>
    %dma_start3A_79 = tpu.memref_squeeze %dma_start3A_78 : memref<1x50x32xf32, #tpu.memory_space<vmem>> -> memref<50x32xf32, #tpu.memory_space<vmem>>
    %dma_start3A_80 = arith.constant 0 : i32
    %dma_start3A_81 = tpu.memref_slice %arg5[%dma_start3A_74, %dma_start3A_80] : memref<512x50xi32, #tpu.memory_space<vmem>> -> memref<1x50xi32, #tpu.memory_space<vmem>>
    %dma_start3A_82 = tpu.memref_squeeze %dma_start3A_81 : memref<1x50xi32, #tpu.memory_space<vmem>> -> memref<50xi32, #tpu.memory_space<vmem>>
    %dma_start3A_83 = arith.constant 0 : i32
    %dma_start3A_84 = arith.constant 0 : i32
    %dma_start3A_85 = tpu.memref_slice %arg3[%dma_start3A_83, %dma_start3A_84] : memref<1000000x32xf32, #tpu.memory_space<hbm>> -> memref<1000000x32xf32, #tpu.memory_space<hbm>>
    tpu.enqueue_indirect_dma source(%dma_start3A_85 : memref<1000000x32xf32, #tpu.memory_space<hbm>>) target(%dma_start3A_79 : memref<50x32xf32, #tpu.memory_space<vmem>>) offsets(%dma_start3A_82 : memref<50xi32, #tpu.memory_space<vmem>>) semaphore(%arg10 : memref<!tpu.dma_semaphore, #tpu.memory_space<semaphore_mem>>)
    %dma_start3A_86 = arith.constant 7 : i32
    %dma_start3A_87 = arith.constant 7 : i32
    %dma_start3A_88 = arith.constant 0 : i32
    %dma_start3A_89 = arith.constant 0 : i32
    %dma_start3A_90 = tpu.memref_slice %arg6[%dma_start3A_87, %dma_start3A_88, %dma_start3A_89] : memref<8x50x32xf32, #tpu.memory_space<vmem>> -> memref<1x50x32xf32, #tpu.memory_space<vmem>>
    %dma_start3A_91 = tpu.memref_squeeze %dma_start3A_90 : memref<1x50x32xf32, #tpu.memory_space<vmem>> -> memref<50x32xf32, #tpu.memory_space<vmem>>
    %dma_start3A_92 = arith.constant 0 : i32
    %dma_start3A_93 = tpu.memref_slice %arg5[%dma_start3A_86, %dma_start3A_92] : memref<512x50xi32, #tpu.memory_space<vmem>> -> memref<1x50xi32, #tpu.memory_space<vmem>>
    %dma_start3A_94 = tpu.memref_squeeze %dma_start3A_93 : memref<1x50xi32, #tpu.memory_space<vmem>> -> memref<50xi32, #tpu.memory_space<vmem>>
    %dma_start3A_95 = arith.constant 0 : i32
    %dma_start3A_96 = arith.constant 0 : i32
    %dma_start3A_97 = tpu.memref_slice %arg3[%dma_start3A_95, %dma_start3A_96] : memref<1000000x32xf32, #tpu.memory_space<hbm>> -> memref<1000000x32xf32, #tpu.memory_space<hbm>>
    tpu.enqueue_indirect_dma source(%dma_start3A_97 : memref<1000000x32xf32, #tpu.memory_space<hbm>>) target(%dma_start3A_91 : memref<50x32xf32, #tpu.memory_space<vmem>>) offsets(%dma_start3A_94 : memref<50xi32, #tpu.memory_space<vmem>>) semaphore(%arg10 : memref<!tpu.dma_semaphore, #tpu.memory_space<semaphore_mem>>)
    %dma_start3A_98 = arith.constant 8 : i32
    %dma_start3A_99 = arith.constant 0 : i32
    %dma_start3A_100 = arith.constant 0 : i32
    %dma_start3A_101 = arith.constant 0 : i32
    %dma_start3A_102 = tpu.memref_slice %arg7[%dma_start3A_99, %dma_start3A_100, %dma_start3A_101] : memref<8x50x32xf32, #tpu.memory_space<vmem>> -> memref<1x50x32xf32, #tpu.memory_space<vmem>>
    %dma_start3A_103 = tpu.memref_squeeze %dma_start3A_102 : memref<1x50x32xf32, #tpu.memory_space<vmem>> -> memref<50x32xf32, #tpu.memory_space<vmem>>
    %dma_start3A_104 = arith.constant 0 : i32
    %dma_start3A_105 = tpu.memref_slice %arg5[%dma_start3A_98, %dma_start3A_104] : memref<512x50xi32, #tpu.memory_space<vmem>> -> memref<1x50xi32, #tpu.memory_space<vmem>>
    %dma_start3A_106 = tpu.memref_squeeze %dma_start3A_105 : memref<1x50xi32, #tpu.memory_space<vmem>> -> memref<50xi32, #tpu.memory_space<vmem>>
    %dma_start3A_107 = arith.constant 0 : i32
    %dma_start3A_108 = arith.constant 0 : i32
    %dma_start3A_109 = tpu.memref_slice %arg3[%dma_start3A_107, %dma_start3A_108] : memref<1000000x32xf32, #tpu.memory_space<hbm>> -> memref<1000000x32xf32, #tpu.memory_space<hbm>>
    tpu.enqueue_indirect_dma source(%dma_start3A_109 : memref<1000000x32xf32, #tpu.memory_space<hbm>>) target(%dma_start3A_103 : memref<50x32xf32, #tpu.memory_space<vmem>>) offsets(%dma_start3A_106 : memref<50xi32, #tpu.memory_space<vmem>>) semaphore(%arg11 : memref<!tpu.dma_semaphore, #tpu.memory_space<semaphore_mem>>)
    %dma_start3A_110 = arith.constant 9 : i32
    %dma_start3A_111 = arith.constant 1 : i32
    %dma_start3A_112 = arith.constant 0 : i32
    %dma_start3A_113 = arith.constant 0 : i32
    %dma_start3A_114 = tpu.memref_slice %arg7[%dma_start3A_111, %dma_start3A_112, %dma_start3A_113] : memref<8x50x32xf32, #tpu.memory_space<vmem>> -> memref<1x50x32xf32, #tpu.memory_space<vmem>>
    %dma_start3A_115 = tpu.memref_squeeze %dma_start3A_114 : memref<1x50x32xf32, #tpu.memory_space<vmem>> -> memref<50x32xf32, #tpu.memory_space<vmem>>
    %dma_start3A_116 = arith.constant 0 : i32
    %dma_start3A_117 = tpu.memref_slice %arg5[%dma_start3A_110, %dma_start3A_116] : memref<512x50xi32, #tpu.memory_space<vmem>> -> memref<1x50xi32, #tpu.memory_space<vmem>>
    %dma_start3A_118 = tpu.memref_squeeze %dma_start3A_117 : memref<1x50xi32, #tpu.memory_space<vmem>> -> memref<50xi32, #tpu.memory_space<vmem>>
    %dma_start3A_119 = arith.constant 0 : i32
    %dma_start3A_120 = arith.constant 0 : i32
    %dma_start3A_121 = tpu.memref_slice %arg3[%dma_start3A_119, %dma_start3A_120] : memref<1000000x32xf32, #tpu.memory_space<hbm>> -> memref<1000000x32xf32, #tpu.memory_space<hbm>>
    tpu.enqueue_indirect_dma source(%dma_start3A_121 : memref<1000000x32xf32, #tpu.memory_space<hbm>>) target(%dma_start3A_115 : memref<50x32xf32, #tpu.memory_space<vmem>>) offsets(%dma_start3A_118 : memref<50xi32, #tpu.memory_space<vmem>>) semaphore(%arg11 : memref<!tpu.dma_semaphore, #tpu.memory_space<semaphore_mem>>)
    %dma_start3A_122 = arith.constant 10 : i32
    %dma_start3A_123 = arith.constant 2 : i32
    %dma_start3A_124 = arith.constant 0 : i32
    %dma_start3A_125 = arith.constant 0 : i32
    %dma_start3A_126 = tpu.memref_slice %arg7[%dma_start3A_123, %dma_start3A_124, %dma_start3A_125] : memref<8x50x32xf32, #tpu.memory_space<vmem>> -> memref<1x50x32xf32, #tpu.memory_space<vmem>>
    %dma_start3A_127 = tpu.memref_squeeze %dma_start3A_126 : memref<1x50x32xf32, #tpu.memory_space<vmem>> -> memref<50x32xf32, #tpu.memory_space<vmem>>
    %dma_start3A_128 = arith.constant 0 : i32
    %dma_start3A_129 = tpu.memref_slice %arg5[%dma_start3A_122, %dma_start3A_128] : memref<512x50xi32, #tpu.memory_space<vmem>> -> memref<1x50xi32, #tpu.memory_space<vmem>>
    %dma_start3A_130 = tpu.memref_squeeze %dma_start3A_129 : memref<1x50xi32, #tpu.memory_space<vmem>> -> memref<50xi32, #tpu.memory_space<vmem>>
    %dma_start3A_131 = arith.constant 0 : i32
    %dma_start3A_132 = arith.constant 0 : i32
    %dma_start3A_133 = tpu.memref_slice %arg3[%dma_start3A_131, %dma_start3A_132] : memref<1000000x32xf32, #tpu.memory_space<hbm>> -> memref<1000000x32xf32, #tpu.memory_space<hbm>>
    tpu.enqueue_indirect_dma source(%dma_start3A_133 : memref<1000000x32xf32, #tpu.memory_space<hbm>>) target(%dma_start3A_127 : memref<50x32xf32, #tpu.memory_space<vmem>>) offsets(%dma_start3A_130 : memref<50xi32, #tpu.memory_space<vmem>>) semaphore(%arg11 : memref<!tpu.dma_semaphore, #tpu.memory_space<semaphore_mem>>)
    %dma_start3A_134 = arith.constant 11 : i32
    %dma_start3A_135 = arith.constant 3 : i32
    %dma_start3A_136 = arith.constant 0 : i32
    %dma_start3A_137 = arith.constant 0 : i32
    %dma_start3A_138 = tpu.memref_slice %arg7[%dma_start3A_135, %dma_start3A_136, %dma_start3A_137] : memref<8x50x32xf32, #tpu.memory_space<vmem>> -> memref<1x50x32xf32, #tpu.memory_space<vmem>>
    %dma_start3A_139 = tpu.memref_squeeze %dma_start3A_138 : memref<1x50x32xf32, #tpu.memory_space<vmem>> -> memref<50x32xf32, #tpu.memory_space<vmem>>
    %dma_start3A_140 = arith.constant 0 : i32
    %dma_start3A_141 = tpu.memref_slice %arg5[%dma_start3A_134, %dma_start3A_140] : memref<512x50xi32, #tpu.memory_space<vmem>> -> memref<1x50xi32, #tpu.memory_space<vmem>>
    %dma_start3A_142 = tpu.memref_squeeze %dma_start3A_141 : memref<1x50xi32, #tpu.memory_space<vmem>> -> memref<50xi32, #tpu.memory_space<vmem>>
    %dma_start3A_143 = arith.constant 0 : i32
    %dma_start3A_144 = arith.constant 0 : i32
    %dma_start3A_145 = tpu.memref_slice %arg3[%dma_start3A_143, %dma_start3A_144] : memref<1000000x32xf32, #tpu.memory_space<hbm>> -> memref<1000000x32xf32, #tpu.memory_space<hbm>>
    tpu.enqueue_indirect_dma source(%dma_start3A_145 : memref<1000000x32xf32, #tpu.memory_space<hbm>>) target(%dma_start3A_139 : memref<50x32xf32, #tpu.memory_space<vmem>>) offsets(%dma_start3A_142 : memref<50xi32, #tpu.memory_space<vmem>>) semaphore(%arg11 : memref<!tpu.dma_semaphore, #tpu.memory_space<semaphore_mem>>)
    %dma_start3A_146 = arith.constant 12 : i32
    %dma_start3A_147 = arith.constant 4 : i32
    %dma_start3A_148 = arith.constant 0 : i32
    %dma_start3A_149 = arith.constant 0 : i32
    %dma_start3A_150 = tpu.memref_slice %arg7[%dma_start3A_147, %dma_start3A_148, %dma_start3A_149] : memref<8x50x32xf32, #tpu.memory_space<vmem>> -> memref<1x50x32xf32, #tpu.memory_space<vmem>>
    %dma_start3A_151 = tpu.memref_squeeze %dma_start3A_150 : memref<1x50x32xf32, #tpu.memory_space<vmem>> -> memref<50x32xf32, #tpu.memory_space<vmem>>
    %dma_start3A_152 = arith.constant 0 : i32
    %dma_start3A_153 = tpu.memref_slice %arg5[%dma_start3A_146, %dma_start3A_152] : memref<512x50xi32, #tpu.memory_space<vmem>> -> memref<1x50xi32, #tpu.memory_space<vmem>>
    %dma_start3A_154 = tpu.memref_squeeze %dma_start3A_153 : memref<1x50xi32, #tpu.memory_space<vmem>> -> memref<50xi32, #tpu.memory_space<vmem>>
    %dma_start3A_155 = arith.constant 0 : i32
    %dma_start3A_156 = arith.constant 0 : i32
    %dma_start3A_157 = tpu.memref_slice %arg3[%dma_start3A_155, %dma_start3A_156] : memref<1000000x32xf32, #tpu.memory_space<hbm>> -> memref<1000000x32xf32, #tpu.memory_space<hbm>>
    tpu.enqueue_indirect_dma source(%dma_start3A_157 : memref<1000000x32xf32, #tpu.memory_space<hbm>>) target(%dma_start3A_151 : memref<50x32xf32, #tpu.memory_space<vmem>>) offsets(%dma_start3A_154 : memref<50xi32, #tpu.memory_space<vmem>>) semaphore(%arg11 : memref<!tpu.dma_semaphore, #tpu.memory_space<semaphore_mem>>)
    %dma_start3A_158 = arith.constant 13 : i32
    %dma_start3A_159 = arith.constant 5 : i32
    %dma_start3A_160 = arith.constant 0 : i32
    %dma_start3A_161 = arith.constant 0 : i32
    %dma_start3A_162 = tpu.memref_slice %arg7[%dma_start3A_159, %dma_start3A_160, %dma_start3A_161] : memref<8x50x32xf32, #tpu.memory_space<vmem>> -> memref<1x50x32xf32, #tpu.memory_space<vmem>>
    %dma_start3A_163 = tpu.memref_squeeze %dma_start3A_162 : memref<1x50x32xf32, #tpu.memory_space<vmem>> -> memref<50x32xf32, #tpu.memory_space<vmem>>
    %dma_start3A_164 = arith.constant 0 : i32
    %dma_start3A_165 = tpu.memref_slice %arg5[%dma_start3A_158, %dma_start3A_164] : memref<512x50xi32, #tpu.memory_space<vmem>> -> memref<1x50xi32, #tpu.memory_space<vmem>>
    %dma_start3A_166 = tpu.memref_squeeze %dma_start3A_165 : memref<1x50xi32, #tpu.memory_space<vmem>> -> memref<50xi32, #tpu.memory_space<vmem>>
    %dma_start3A_167 = arith.constant 0 : i32
    %dma_start3A_168 = arith.constant 0 : i32
    %dma_start3A_169 = tpu.memref_slice %arg3[%dma_start3A_167, %dma_start3A_168] : memref<1000000x32xf32, #tpu.memory_space<hbm>> -> memref<1000000x32xf32, #tpu.memory_space<hbm>>
    tpu.enqueue_indirect_dma source(%dma_start3A_169 : memref<1000000x32xf32, #tpu.memory_space<hbm>>) target(%dma_start3A_163 : memref<50x32xf32, #tpu.memory_space<vmem>>) offsets(%dma_start3A_166 : memref<50xi32, #tpu.memory_space<vmem>>) semaphore(%arg11 : memref<!tpu.dma_semaphore, #tpu.memory_space<semaphore_mem>>)
    %dma_start3A_170 = arith.constant 14 : i32
    %dma_start3A_171 = arith.constant 6 : i32
    %dma_start3A_172 = arith.constant 0 : i32
    %dma_start3A_173 = arith.constant 0 : i32
    %dma_start3A_174 = tpu.memref_slice %arg7[%dma_start3A_171, %dma_start3A_172, %dma_start3A_173] : memref<8x50x32xf32, #tpu.memory_space<vmem>> -> memref<1x50x32xf32, #tpu.memory_space<vmem>>
    %dma_start3A_175 = tpu.memref_squeeze %dma_start3A_174 : memref<1x50x32xf32, #tpu.memory_space<vmem>> -> memref<50x32xf32, #tpu.memory_space<vmem>>
    %dma_start3A_176 = arith.constant 0 : i32
    %dma_start3A_177 = tpu.memref_slice %arg5[%dma_start3A_170, %dma_start3A_176] : memref<512x50xi32, #tpu.memory_space<vmem>> -> memref<1x50xi32, #tpu.memory_space<vmem>>
    %dma_start3A_178 = tpu.memref_squeeze %dma_start3A_177 : memref<1x50xi32, #tpu.memory_space<vmem>> -> memref<50xi32, #tpu.memory_space<vmem>>
    %dma_start3A_179 = arith.constant 0 : i32
    %dma_start3A_180 = arith.constant 0 : i32
    %dma_start3A_181 = tpu.memref_slice %arg3[%dma_start3A_179, %dma_start3A_180] : memref<1000000x32xf32, #tpu.memory_space<hbm>> -> memref<1000000x32xf32, #tpu.memory_space<hbm>>
    tpu.enqueue_indirect_dma source(%dma_start3A_181 : memref<1000000x32xf32, #tpu.memory_space<hbm>>) target(%dma_start3A_175 : memref<50x32xf32, #tpu.memory_space<vmem>>) offsets(%dma_start3A_178 : memref<50xi32, #tpu.memory_space<vmem>>) semaphore(%arg11 : memref<!tpu.dma_semaphore, #tpu.memory_space<semaphore_mem>>)
    %dma_start3A_182 = arith.constant 15 : i32
    %dma_start3A_183 = arith.constant 7 : i32
    %dma_start3A_184 = arith.constant 0 : i32
    %dma_start3A_185 = arith.constant 0 : i32
    %dma_start3A_186 = tpu.memref_slice %arg7[%dma_start3A_183, %dma_start3A_184, %dma_start3A_185] : memref<8x50x32xf32, #tpu.memory_space<vmem>> -> memref<1x50x32xf32, #tpu.memory_space<vmem>>
    %dma_start3A_187 = tpu.memref_squeeze %dma_start3A_186 : memref<1x50x32xf32, #tpu.memory_space<vmem>> -> memref<50x32xf32, #tpu.memory_space<vmem>>
    %dma_start3A_188 = arith.constant 0 : i32
    %dma_start3A_189 = tpu.memref_slice %arg5[%dma_start3A_182, %dma_start3A_188] : memref<512x50xi32, #tpu.memory_space<vmem>> -> memref<1x50xi32, #tpu.memory_space<vmem>>
    %dma_start3A_190 = tpu.memref_squeeze %dma_start3A_189 : memref<1x50xi32, #tpu.memory_space<vmem>> -> memref<50xi32, #tpu.memory_space<vmem>>
    %dma_start3A_191 = arith.constant 0 : i32
    %dma_start3A_192 = arith.constant 0 : i32
    %dma_start3A_193 = tpu.memref_slice %arg3[%dma_start3A_191, %dma_start3A_192] : memref<1000000x32xf32, #tpu.memory_space<hbm>> -> memref<1000000x32xf32, #tpu.memory_space<hbm>>
    tpu.enqueue_indirect_dma source(%dma_start3A_193 : memref<1000000x32xf32, #tpu.memory_space<hbm>>) target(%dma_start3A_187 : memref<50x32xf32, #tpu.memory_space<vmem>>) offsets(%dma_start3A_190 : memref<50xi32, #tpu.memory_space<vmem>>) semaphore(%arg11 : memref<!tpu.dma_semaphore, #tpu.memory_space<semaphore_mem>>)
    %dma_start3A_194 = arith.constant 16 : i32
    %dma_start3A_195 = arith.constant 0 : i32
    %dma_start3A_196 = arith.constant 0 : i32
    %dma_start3A_197 = arith.constant 0 : i32
    %dma_start3A_198 = tpu.memref_slice %arg8[%dma_start3A_195, %dma_start3A_196, %dma_start3A_197] : memref<8x50x32xf32, #tpu.memory_space<vmem>> -> memref<1x50x32xf32, #tpu.memory_space<vmem>>
    %dma_start3A_199 = tpu.memref_squeeze %dma_start3A_198 : memref<1x50x32xf32, #tpu.memory_space<vmem>> -> memref<50x32xf32, #tpu.memory_space<vmem>>
    %dma_start3A_200 = arith.constant 0 : i32
    %dma_start3A_201 = tpu.memref_slice %arg5[%dma_start3A_194, %dma_start3A_200] : memref<512x50xi32, #tpu.memory_space<vmem>> -> memref<1x50xi32, #tpu.memory_space<vmem>>
    %dma_start3A_202 = tpu.memref_squeeze %dma_start3A_201 : memref<1x50xi32, #tpu.memory_space<vmem>> -> memref<50xi32, #tpu.memory_space<vmem>>
    %dma_start3A_203 = arith.constant 0 : i32
    %dma_start3A_204 = arith.constant 0 : i32
    %dma_start3A_205 = tpu.memref_slice %arg3[%dma_start3A_203, %dma_start3A_204] : memref<1000000x32xf32, #tpu.memory_space<hbm>> -> memref<1000000x32xf32, #tpu.memory_space<hbm>>
    tpu.enqueue_indirect_dma source(%dma_start3A_205 : memref<1000000x32xf32, #tpu.memory_space<hbm>>) target(%dma_start3A_199 : memref<50x32xf32, #tpu.memory_space<vmem>>) offsets(%dma_start3A_202 : memref<50xi32, #tpu.memory_space<vmem>>) semaphore(%arg12 : memref<!tpu.dma_semaphore, #tpu.memory_space<semaphore_mem>>)
    %dma_start3A_206 = arith.constant 17 : i32
    %dma_start3A_207 = arith.constant 1 : i32
    %dma_start3A_208 = arith.constant 0 : i32
    %dma_start3A_209 = arith.constant 0 : i32
    %dma_start3A_210 = tpu.memref_slice %arg8[%dma_start3A_207, %dma_start3A_208, %dma_start3A_209] : memref<8x50x32xf32, #tpu.memory_space<vmem>> -> memref<1x50x32xf32, #tpu.memory_space<vmem>>
    %dma_start3A_211 = tpu.memref_squeeze %dma_start3A_210 : memref<1x50x32xf32, #tpu.memory_space<vmem>> -> memref<50x32xf32, #tpu.memory_space<vmem>>
    %dma_start3A_212 = arith.constant 0 : i32
    %dma_start3A_213 = tpu.memref_slice %arg5[%dma_start3A_206, %dma_start3A_212] : memref<512x50xi32, #tpu.memory_space<vmem>> -> memref<1x50xi32, #tpu.memory_space<vmem>>
    %dma_start3A_214 = tpu.memref_squeeze %dma_start3A_213 : memref<1x50xi32, #tpu.memory_space<vmem>> -> memref<50xi32, #tpu.memory_space<vmem>>
    %dma_start3A_215 = arith.constant 0 : i32
    %dma_start3A_216 = arith.constant 0 : i32
    %dma_start3A_217 = tpu.memref_slice %arg3[%dma_start3A_215, %dma_start3A_216] : memref<1000000x32xf32, #tpu.memory_space<hbm>> -> memref<1000000x32xf32, #tpu.memory_space<hbm>>
    tpu.enqueue_indirect_dma source(%dma_start3A_217 : memref<1000000x32xf32, #tpu.memory_space<hbm>>) target(%dma_start3A_211 : memref<50x32xf32, #tpu.memory_space<vmem>>) offsets(%dma_start3A_214 : memref<50xi32, #tpu.memory_space<vmem>>) semaphore(%arg12 : memref<!tpu.dma_semaphore, #tpu.memory_space<semaphore_mem>>)
    %dma_start3A_218 = arith.constant 18 : i32
    %dma_start3A_219 = arith.constant 2 : i32
    %dma_start3A_220 = arith.constant 0 : i32
    %dma_start3A_221 = arith.constant 0 : i32
    %dma_start3A_222 = tpu.memref_slice %arg8[%dma_start3A_219, %dma_start3A_220, %dma_start3A_221] : memref<8x50x32xf32, #tpu.memory_space<vmem>> -> memref<1x50x32xf32, #tpu.memory_space<vmem>>
    %dma_start3A_223 = tpu.memref_squeeze %dma_start3A_222 : memref<1x50x32xf32, #tpu.memory_space<vmem>> -> memref<50x32xf32, #tpu.memory_space<vmem>>
    %dma_start3A_224 = arith.constant 0 : i32
    %dma_start3A_225 = tpu.memref_slice %arg5[%dma_start3A_218, %dma_start3A_224] : memref<512x50xi32, #tpu.memory_space<vmem>> -> memref<1x50xi32, #tpu.memory_space<vmem>>
    %dma_start3A_226 = tpu.memref_squeeze %dma_start3A_225 : memref<1x50xi32, #tpu.memory_space<vmem>> -> memref<50xi32, #tpu.memory_space<vmem>>
    %dma_start3A_227 = arith.constant 0 : i32
    %dma_start3A_228 = arith.constant 0 : i32
    %dma_start3A_229 = tpu.memref_slice %arg3[%dma_start3A_227, %dma_start3A_228] : memref<1000000x32xf32, #tpu.memory_space<hbm>> -> memref<1000000x32xf32, #tpu.memory_space<hbm>>
    tpu.enqueue_indirect_dma source(%dma_start3A_229 : memref<1000000x32xf32, #tpu.memory_space<hbm>>) target(%dma_start3A_223 : memref<50x32xf32, #tpu.memory_space<vmem>>) offsets(%dma_start3A_226 : memref<50xi32, #tpu.memory_space<vmem>>) semaphore(%arg12 : memref<!tpu.dma_semaphore, #tpu.memory_space<semaphore_mem>>)
    %dma_start3A_230 = arith.constant 19 : i32
    %dma_start3A_231 = arith.constant 3 : i32
    %dma_start3A_232 = arith.constant 0 : i32
    %dma_start3A_233 = arith.constant 0 : i32
    %dma_start3A_234 = tpu.memref_slice %arg8[%dma_start3A_231, %dma_start3A_232, %dma_start3A_233] : memref<8x50x32xf32, #tpu.memory_space<vmem>> -> memref<1x50x32xf32, #tpu.memory_space<vmem>>
    %dma_start3A_235 = tpu.memref_squeeze %dma_start3A_234 : memref<1x50x32xf32, #tpu.memory_space<vmem>> -> memref<50x32xf32, #tpu.memory_space<vmem>>
    %dma_start3A_236 = arith.constant 0 : i32
    %dma_start3A_237 = tpu.memref_slice %arg5[%dma_start3A_230, %dma_start3A_236] : memref<512x50xi32, #tpu.memory_space<vmem>> -> memref<1x50xi32, #tpu.memory_space<vmem>>
    %dma_start3A_238 = tpu.memref_squeeze %dma_start3A_237 : memref<1x50xi32, #tpu.memory_space<vmem>> -> memref<50xi32, #tpu.memory_space<vmem>>
    %dma_start3A_239 = arith.constant 0 : i32
    %dma_start3A_240 = arith.constant 0 : i32
    %dma_start3A_241 = tpu.memref_slice %arg3[%dma_start3A_239, %dma_start3A_240] : memref<1000000x32xf32, #tpu.memory_space<hbm>> -> memref<1000000x32xf32, #tpu.memory_space<hbm>>
    tpu.enqueue_indirect_dma source(%dma_start3A_241 : memref<1000000x32xf32, #tpu.memory_space<hbm>>) target(%dma_start3A_235 : memref<50x32xf32, #tpu.memory_space<vmem>>) offsets(%dma_start3A_238 : memref<50xi32, #tpu.memory_space<vmem>>) semaphore(%arg12 : memref<!tpu.dma_semaphore, #tpu.memory_space<semaphore_mem>>)
    %dma_start3A_242 = arith.constant 20 : i32
    %dma_start3A_243 = arith.constant 4 : i32
    %dma_start3A_244 = arith.constant 0 : i32
    %dma_start3A_245 = arith.constant 0 : i32
    %dma_start3A_246 = tpu.memref_slice %arg8[%dma_start3A_243, %dma_start3A_244, %dma_start3A_245] : memref<8x50x32xf32, #tpu.memory_space<vmem>> -> memref<1x50x32xf32, #tpu.memory_space<vmem>>
    %dma_start3A_247 = tpu.memref_squeeze %dma_start3A_246 : memref<1x50x32xf32, #tpu.memory_space<vmem>> -> memref<50x32xf32, #tpu.memory_space<vmem>>
    %dma_start3A_248 = arith.constant 0 : i32
    %dma_start3A_249 = tpu.memref_slice %arg5[%dma_start3A_242, %dma_start3A_248] : memref<512x50xi32, #tpu.memory_space<vmem>> -> memref<1x50xi32, #tpu.memory_space<vmem>>
    %dma_start3A_250 = tpu.memref_squeeze %dma_start3A_249 : memref<1x50xi32, #tpu.memory_space<vmem>> -> memref<50xi32, #tpu.memory_space<vmem>>
    %dma_start3A_251 = arith.constant 0 : i32
    %dma_start3A_252 = arith.constant 0 : i32
    %dma_start3A_253 = tpu.memref_slice %arg3[%dma_start3A_251, %dma_start3A_252] : memref<1000000x32xf32, #tpu.memory_space<hbm>> -> memref<1000000x32xf32, #tpu.memory_space<hbm>>
    tpu.enqueue_indirect_dma source(%dma_start3A_253 : memref<1000000x32xf32, #tpu.memory_space<hbm>>) target(%dma_start3A_247 : memref<50x32xf32, #tpu.memory_space<vmem>>) offsets(%dma_start3A_250 : memref<50xi32, #tpu.memory_space<vmem>>) semaphore(%arg12 : memref<!tpu.dma_semaphore, #tpu.memory_space<semaphore_mem>>)
    %dma_start3A_254 = arith.constant 21 : i32
    %dma_start3A_255 = arith.constant 5 : i32
    %dma_start3A_256 = arith.constant 0 : i32
    %dma_start3A_257 = arith.constant 0 : i32
    %dma_start3A_258 = tpu.memref_slice %arg8[%dma_start3A_255, %dma_start3A_256, %dma_start3A_257] : memref<8x50x32xf32, #tpu.memory_space<vmem>> -> memref<1x50x32xf32, #tpu.memory_space<vmem>>
    %dma_start3A_259 = tpu.memref_squeeze %dma_start3A_258 : memref<1x50x32xf32, #tpu.memory_space<vmem>> -> memref<50x32xf32, #tpu.memory_space<vmem>>
    %dma_start3A_260 = arith.constant 0 : i32
    %dma_start3A_261 = tpu.memref_slice %arg5[%dma_start3A_254, %dma_start3A_260] : memref<512x50xi32, #tpu.memory_space<vmem>> -> memref<1x50xi32, #tpu.memory_space<vmem>>
    %dma_start3A_262 = tpu.memref_squeeze %dma_start3A_261 : memref<1x50xi32, #tpu.memory_space<vmem>> -> memref<50xi32, #tpu.memory_space<vmem>>
    %dma_start3A_263 = arith.constant 0 : i32
    %dma_start3A_264 = arith.constant 0 : i32
    %dma_start3A_265 = tpu.memref_slice %arg3[%dma_start3A_263, %dma_start3A_264] : memref<1000000x32xf32, #tpu.memory_space<hbm>> -> memref<1000000x32xf32, #tpu.memory_space<hbm>>
    tpu.enqueue_indirect_dma source(%dma_start3A_265 : memref<1000000x32xf32, #tpu.memory_space<hbm>>) target(%dma_start3A_259 : memref<50x32xf32, #tpu.memory_space<vmem>>) offsets(%dma_start3A_262 : memref<50xi32, #tpu.memory_space<vmem>>) semaphore(%arg12 : memref<!tpu.dma_semaphore, #tpu.memory_space<semaphore_mem>>)
    %dma_start3A_266 = arith.constant 22 : i32
    %dma_start3A_267 = arith.constant 6 : i32
    %dma_start3A_268 = arith.constant 0 : i32
    %dma_start3A_269 = arith.constant 0 : i32
    %dma_start3A_270 = tpu.memref_slice %arg8[%dma_start3A_267, %dma_start3A_268, %dma_start3A_269] : memref<8x50x32xf32, #tpu.memory_space<vmem>> -> memref<1x50x32xf32, #tpu.memory_space<vmem>>
    %dma_start3A_271 = tpu.memref_squeeze %dma_start3A_270 : memref<1x50x32xf32, #tpu.memory_space<vmem>> -> memref<50x32xf32, #tpu.memory_space<vmem>>
    %dma_start3A_272 = arith.constant 0 : i32
    %dma_start3A_273 = tpu.memref_slice %arg5[%dma_start3A_266, %dma_start3A_272] : memref<512x50xi32, #tpu.memory_space<vmem>> -> memref<1x50xi32, #tpu.memory_space<vmem>>
    %dma_start3A_274 = tpu.memref_squeeze %dma_start3A_273 : memref<1x50xi32, #tpu.memory_space<vmem>> -> memref<50xi32, #tpu.memory_space<vmem>>
    %dma_start3A_275 = arith.constant 0 : i32
    %dma_start3A_276 = arith.constant 0 : i32
    %dma_start3A_277 = tpu.memref_slice %arg3[%dma_start3A_275, %dma_start3A_276] : memref<1000000x32xf32, #tpu.memory_space<hbm>> -> memref<1000000x32xf32, #tpu.memory_space<hbm>>
    tpu.enqueue_indirect_dma source(%dma_start3A_277 : memref<1000000x32xf32, #tpu.memory_space<hbm>>) target(%dma_start3A_271 : memref<50x32xf32, #tpu.memory_space<vmem>>) offsets(%dma_start3A_274 : memref<50xi32, #tpu.memory_space<vmem>>) semaphore(%arg12 : memref<!tpu.dma_semaphore, #tpu.memory_space<semaphore_mem>>)
    %dma_start3A_278 = arith.constant 23 : i32
    %dma_start3A_279 = arith.constant 7 : i32
    %dma_start3A_280 = arith.constant 0 : i32
    %dma_start3A_281 = arith.constant 0 : i32
    %dma_start3A_282 = tpu.memref_slice %arg8[%dma_start3A_279, %dma_start3A_280, %dma_start3A_281] : memref<8x50x32xf32, #tpu.memory_space<vmem>> -> memref<1x50x32xf32, #tpu.memory_space<vmem>>
    %dma_start3A_283 = tpu.memref_squeeze %dma_start3A_282 : memref<1x50x32xf32, #tpu.memory_space<vmem>> -> memref<50x32xf32, #tpu.memory_space<vmem>>
    %dma_start3A_284 = arith.constant 0 : i32
    %dma_start3A_285 = tpu.memref_slice %arg5[%dma_start3A_278, %dma_start3A_284] : memref<512x50xi32, #tpu.memory_space<vmem>> -> memref<1x50xi32, #tpu.memory_space<vmem>>
    %dma_start3A_286 = tpu.memref_squeeze %dma_start3A_285 : memref<1x50xi32, #tpu.memory_space<vmem>> -> memref<50xi32, #tpu.memory_space<vmem>>
    %dma_start3A_287 = arith.constant 0 : i32
    %dma_start3A_288 = arith.constant 0 : i32
    %dma_start3A_289 = tpu.memref_slice %arg3[%dma_start3A_287, %dma_start3A_288] : memref<1000000x32xf32, #tpu.memory_space<hbm>> -> memref<1000000x32xf32, #tpu.memory_space<hbm>>
    tpu.enqueue_indirect_dma source(%dma_start3A_289 : memref<1000000x32xf32, #tpu.memory_space<hbm>>) target(%dma_start3A_283 : memref<50x32xf32, #tpu.memory_space<vmem>>) offsets(%dma_start3A_286 : memref<50xi32, #tpu.memory_space<vmem>>) semaphore(%arg12 : memref<!tpu.dma_semaphore, #tpu.memory_space<semaphore_mem>>)
    %dma_start3A_290 = arith.constant 24 : i32
    %dma_start3A_291 = arith.constant 0 : i32
    %dma_start3A_292 = arith.constant 0 : i32
    %dma_start3A_293 = arith.constant 0 : i32
    %dma_start3A_294 = tpu.memref_slice %arg9[%dma_start3A_291, %dma_start3A_292, %dma_start3A_293] : memref<8x50x32xf32, #tpu.memory_space<vmem>> -> memref<1x50x32xf32, #tpu.memory_space<vmem>>
    %dma_start3A_295 = tpu.memref_squeeze %dma_start3A_294 : memref<1x50x32xf32, #tpu.memory_space<vmem>> -> memref<50x32xf32, #tpu.memory_space<vmem>>
    %dma_start3A_296 = arith.constant 0 : i32
    %dma_start3A_297 = tpu.memref_slice %arg5[%dma_start3A_290, %dma_start3A_296] : memref<512x50xi32, #tpu.memory_space<vmem>> -> memref<1x50xi32, #tpu.memory_space<vmem>>
    %dma_start3A_298 = tpu.memref_squeeze %dma_start3A_297 : memref<1x50xi32, #tpu.memory_space<vmem>> -> memref<50xi32, #tpu.memory_space<vmem>>
    %dma_start3A_299 = arith.constant 0 : i32
    %dma_start3A_300 = arith.constant 0 : i32
    %dma_start3A_301 = tpu.memref_slice %arg3[%dma_start3A_299, %dma_start3A_300] : memref<1000000x32xf32, #tpu.memory_space<hbm>> -> memref<1000000x32xf32, #tpu.memory_space<hbm>>
    tpu.enqueue_indirect_dma source(%dma_start3A_301 : memref<1000000x32xf32, #tpu.memory_space<hbm>>) target(%dma_start3A_295 : memref<50x32xf32, #tpu.memory_space<vmem>>) offsets(%dma_start3A_298 : memref<50xi32, #tpu.memory_space<vmem>>) semaphore(%arg13 : memref<!tpu.dma_semaphore, #tpu.memory_space<semaphore_mem>>)
    %dma_start3A_302 = arith.constant 25 : i32
    %dma_start3A_303 = arith.constant 1 : i32
    %dma_start3A_304 = arith.constant 0 : i32
    %dma_start3A_305 = arith.constant 0 : i32
    %dma_start3A_306 = tpu.memref_slice %arg9[%dma_start3A_303, %dma_start3A_304, %dma_start3A_305] : memref<8x50x32xf32, #tpu.memory_space<vmem>> -> memref<1x50x32xf32, #tpu.memory_space<vmem>>
    %dma_start3A_307 = tpu.memref_squeeze %dma_start3A_306 : memref<1x50x32xf32, #tpu.memory_space<vmem>> -> memref<50x32xf32, #tpu.memory_space<vmem>>
    %dma_start3A_308 = arith.constant 0 : i32
    %dma_start3A_309 = tpu.memref_slice %arg5[%dma_start3A_302, %dma_start3A_308] : memref<512x50xi32, #tpu.memory_space<vmem>> -> memref<1x50xi32, #tpu.memory_space<vmem>>
    %dma_start3A_310 = tpu.memref_squeeze %dma_start3A_309 : memref<1x50xi32, #tpu.memory_space<vmem>> -> memref<50xi32, #tpu.memory_space<vmem>>
    %dma_start3A_311 = arith.constant 0 : i32
    %dma_start3A_312 = arith.constant 0 : i32
    %dma_start3A_313 = tpu.memref_slice %arg3[%dma_start3A_311, %dma_start3A_312] : memref<1000000x32xf32, #tpu.memory_space<hbm>> -> memref<1000000x32xf32, #tpu.memory_space<hbm>>
    tpu.enqueue_indirect_dma source(%dma_start3A_313 : memref<1000000x32xf32, #tpu.memory_space<hbm>>) target(%dma_start3A_307 : memref<50x32xf32, #tpu.memory_space<vmem>>) offsets(%dma_start3A_310 : memref<50xi32, #tpu.memory_space<vmem>>) semaphore(%arg13 : memref<!tpu.dma_semaphore, #tpu.memory_space<semaphore_mem>>)
    %dma_start3A_314 = arith.constant 26 : i32
    %dma_start3A_315 = arith.constant 2 : i32
    %dma_start3A_316 = arith.constant 0 : i32
    %dma_start3A_317 = arith.constant 0 : i32
    %dma_start3A_318 = tpu.memref_slice %arg9[%dma_start3A_315, %dma_start3A_316, %dma_start3A_317] : memref<8x50x32xf32, #tpu.memory_space<vmem>> -> memref<1x50x32xf32, #tpu.memory_space<vmem>>
    %dma_start3A_319 = tpu.memref_squeeze %dma_start3A_318 : memref<1x50x32xf32, #tpu.memory_space<vmem>> -> memref<50x32xf32, #tpu.memory_space<vmem>>
    %dma_start3A_320 = arith.constant 0 : i32
    %dma_start3A_321 = tpu.memref_slice %arg5[%dma_start3A_314, %dma_start3A_320] : memref<512x50xi32, #tpu.memory_space<vmem>> -> memref<1x50xi32, #tpu.memory_space<vmem>>
    %dma_start3A_322 = tpu.memref_squeeze %dma_start3A_321 : memref<1x50xi32, #tpu.memory_space<vmem>> -> memref<50xi32, #tpu.memory_space<vmem>>
    %dma_start3A_323 = arith.constant 0 : i32
    %dma_start3A_324 = arith.constant 0 : i32
    %dma_start3A_325 = tpu.memref_slice %arg3[%dma_start3A_323, %dma_start3A_324] : memref<1000000x32xf32, #tpu.memory_space<hbm>> -> memref<1000000x32xf32, #tpu.memory_space<hbm>>
    tpu.enqueue_indirect_dma source(%dma_start3A_325 : memref<1000000x32xf32, #tpu.memory_space<hbm>>) target(%dma_start3A_319 : memref<50x32xf32, #tpu.memory_space<vmem>>) offsets(%dma_start3A_322 : memref<50xi32, #tpu.memory_space<vmem>>) semaphore(%arg13 : memref<!tpu.dma_semaphore, #tpu.memory_space<semaphore_mem>>)
    %dma_start3A_326 = arith.constant 27 : i32
    %dma_start3A_327 = arith.constant 3 : i32
    %dma_start3A_328 = arith.constant 0 : i32
    %dma_start3A_329 = arith.constant 0 : i32
    %dma_start3A_330 = tpu.memref_slice %arg9[%dma_start3A_327, %dma_start3A_328, %dma_start3A_329] : memref<8x50x32xf32, #tpu.memory_space<vmem>> -> memref<1x50x32xf32, #tpu.memory_space<vmem>>
    %dma_start3A_331 = tpu.memref_squeeze %dma_start3A_330 : memref<1x50x32xf32, #tpu.memory_space<vmem>> -> memref<50x32xf32, #tpu.memory_space<vmem>>
    %dma_start3A_332 = arith.constant 0 : i32
    %dma_start3A_333 = tpu.memref_slice %arg5[%dma_start3A_326, %dma_start3A_332] : memref<512x50xi32, #tpu.memory_space<vmem>> -> memref<1x50xi32, #tpu.memory_space<vmem>>
    %dma_start3A_334 = tpu.memref_squeeze %dma_start3A_333 : memref<1x50xi32, #tpu.memory_space<vmem>> -> memref<50xi32, #tpu.memory_space<vmem>>
    %dma_start3A_335 = arith.constant 0 : i32
    %dma_start3A_336 = arith.constant 0 : i32
    %dma_start3A_337 = tpu.memref_slice %arg3[%dma_start3A_335, %dma_start3A_336] : memref<1000000x32xf32, #tpu.memory_space<hbm>> -> memref<1000000x32xf32, #tpu.memory_space<hbm>>
    tpu.enqueue_indirect_dma source(%dma_start3A_337 : memref<1000000x32xf32, #tpu.memory_space<hbm>>) target(%dma_start3A_331 : memref<50x32xf32, #tpu.memory_space<vmem>>) offsets(%dma_start3A_334 : memref<50xi32, #tpu.memory_space<vmem>>) semaphore(%arg13 : memref<!tpu.dma_semaphore, #tpu.memory_space<semaphore_mem>>)
    %dma_start3A_338 = arith.constant 28 : i32
    %dma_start3A_339 = arith.constant 4 : i32
    %dma_start3A_340 = arith.constant 0 : i32
    %dma_start3A_341 = arith.constant 0 : i32
    %dma_start3A_342 = tpu.memref_slice %arg9[%dma_start3A_339, %dma_start3A_340, %dma_start3A_341] : memref<8x50x32xf32, #tpu.memory_space<vmem>> -> memref<1x50x32xf32, #tpu.memory_space<vmem>>
    %dma_start3A_343 = tpu.memref_squeeze %dma_start3A_342 : memref<1x50x32xf32, #tpu.memory_space<vmem>> -> memref<50x32xf32, #tpu.memory_space<vmem>>
    %dma_start3A_344 = arith.constant 0 : i32
    %dma_start3A_345 = tpu.memref_slice %arg5[%dma_start3A_338, %dma_start3A_344] : memref<512x50xi32, #tpu.memory_space<vmem>> -> memref<1x50xi32, #tpu.memory_space<vmem>>
    %dma_start3A_346 = tpu.memref_squeeze %dma_start3A_345 : memref<1x50xi32, #tpu.memory_space<vmem>> -> memref<50xi32, #tpu.memory_space<vmem>>
    %dma_start3A_347 = arith.constant 0 : i32
    %dma_start3A_348 = arith.constant 0 : i32
    %dma_start3A_349 = tpu.memref_slice %arg3[%dma_start3A_347, %dma_start3A_348] : memref<1000000x32xf32, #tpu.memory_space<hbm>> -> memref<1000000x32xf32, #tpu.memory_space<hbm>>
    tpu.enqueue_indirect_dma source(%dma_start3A_349 : memref<1000000x32xf32, #tpu.memory_space<hbm>>) target(%dma_start3A_343 : memref<50x32xf32, #tpu.memory_space<vmem>>) offsets(%dma_start3A_346 : memref<50xi32, #tpu.memory_space<vmem>>) semaphore(%arg13 : memref<!tpu.dma_semaphore, #tpu.memory_space<semaphore_mem>>)
    %dma_start3A_350 = arith.constant 29 : i32
    %dma_start3A_351 = arith.constant 5 : i32
    %dma_start3A_352 = arith.constant 0 : i32
    %dma_start3A_353 = arith.constant 0 : i32
    %dma_start3A_354 = tpu.memref_slice %arg9[%dma_start3A_351, %dma_start3A_352, %dma_start3A_353] : memref<8x50x32xf32, #tpu.memory_space<vmem>> -> memref<1x50x32xf32, #tpu.memory_space<vmem>>
    %dma_start3A_355 = tpu.memref_squeeze %dma_start3A_354 : memref<1x50x32xf32, #tpu.memory_space<vmem>> -> memref<50x32xf32, #tpu.memory_space<vmem>>
    %dma_start3A_356 = arith.constant 0 : i32
    %dma_start3A_357 = tpu.memref_slice %arg5[%dma_start3A_350, %dma_start3A_356] : memref<512x50xi32, #tpu.memory_space<vmem>> -> memref<1x50xi32, #tpu.memory_space<vmem>>
    %dma_start3A_358 = tpu.memref_squeeze %dma_start3A_357 : memref<1x50xi32, #tpu.memory_space<vmem>> -> memref<50xi32, #tpu.memory_space<vmem>>
    %dma_start3A_359 = arith.constant 0 : i32
    %dma_start3A_360 = arith.constant 0 : i32
    %dma_start3A_361 = tpu.memref_slice %arg3[%dma_start3A_359, %dma_start3A_360] : memref<1000000x32xf32, #tpu.memory_space<hbm>> -> memref<1000000x32xf32, #tpu.memory_space<hbm>>
    tpu.enqueue_indirect_dma source(%dma_start3A_361 : memref<1000000x32xf32, #tpu.memory_space<hbm>>) target(%dma_start3A_355 : memref<50x32xf32, #tpu.memory_space<vmem>>) offsets(%dma_start3A_358 : memref<50xi32, #tpu.memory_space<vmem>>) semaphore(%arg13 : memref<!tpu.dma_semaphore, #tpu.memory_space<semaphore_mem>>)
    %dma_start3A_362 = arith.constant 30 : i32
    %dma_start3A_363 = arith.constant 6 : i32
    %dma_start3A_364 = arith.constant 0 : i32
    %dma_start3A_365 = arith.constant 0 : i32
    %dma_start3A_366 = tpu.memref_slice %arg9[%dma_start3A_363, %dma_start3A_364, %dma_start3A_365] : memref<8x50x32xf32, #tpu.memory_space<vmem>> -> memref<1x50x32xf32, #tpu.memory_space<vmem>>
    %dma_start3A_367 = tpu.memref_squeeze %dma_start3A_366 : memref<1x50x32xf32, #tpu.memory_space<vmem>> -> memref<50x32xf32, #tpu.memory_space<vmem>>
    %dma_start3A_368 = arith.constant 0 : i32
    %dma_start3A_369 = tpu.memref_slice %arg5[%dma_start3A_362, %dma_start3A_368] : memref<512x50xi32, #tpu.memory_space<vmem>> -> memref<1x50xi32, #tpu.memory_space<vmem>>
    %dma_start3A_370 = tpu.memref_squeeze %dma_start3A_369 : memref<1x50xi32, #tpu.memory_space<vmem>> -> memref<50xi32, #tpu.memory_space<vmem>>
    %dma_start3A_371 = arith.constant 0 : i32
    %dma_start3A_372 = arith.constant 0 : i32
    %dma_start3A_373 = tpu.memref_slice %arg3[%dma_start3A_371, %dma_start3A_372] : memref<1000000x32xf32, #tpu.memory_space<hbm>> -> memref<1000000x32xf32, #tpu.memory_space<hbm>>
    tpu.enqueue_indirect_dma source(%dma_start3A_373 : memref<1000000x32xf32, #tpu.memory_space<hbm>>) target(%dma_start3A_367 : memref<50x32xf32, #tpu.memory_space<vmem>>) offsets(%dma_start3A_370 : memref<50xi32, #tpu.memory_space<vmem>>) semaphore(%arg13 : memref<!tpu.dma_semaphore, #tpu.memory_space<semaphore_mem>>)
    %dma_start3A_374 = arith.constant 31 : i32
    %dma_start3A_375 = arith.constant 7 : i32
    %dma_start3A_376 = arith.constant 0 : i32
    %dma_start3A_377 = arith.constant 0 : i32
    %dma_start3A_378 = tpu.memref_slice %arg9[%dma_start3A_375, %dma_start3A_376, %dma_start3A_377] : memref<8x50x32xf32, #tpu.memory_space<vmem>> -> memref<1x50x32xf32, #tpu.memory_space<vmem>>
    %dma_start3A_379 = tpu.memref_squeeze %dma_start3A_378 : memref<1x50x32xf32, #tpu.memory_space<vmem>> -> memref<50x32xf32, #tpu.memory_space<vmem>>
    %dma_start3A_380 = arith.constant 0 : i32
    %dma_start3A_381 = tpu.memref_slice %arg5[%dma_start3A_374, %dma_start3A_380] : memref<512x50xi32, #tpu.memory_space<vmem>> -> memref<1x50xi32, #tpu.memory_space<vmem>>
    %dma_start3A_382 = tpu.memref_squeeze %dma_start3A_381 : memref<1x50xi32, #tpu.memory_space<vmem>> -> memref<50xi32, #tpu.memory_space<vmem>>
    %dma_start3A_383 = arith.constant 0 : i32
    %dma_start3A_384 = arith.constant 0 : i32
    %dma_start3A_385 = tpu.memref_slice %arg3[%dma_start3A_383, %dma_start3A_384] : memref<1000000x32xf32, #tpu.memory_space<hbm>> -> memref<1000000x32xf32, #tpu.memory_space<hbm>>
    tpu.enqueue_indirect_dma source(%dma_start3A_385 : memref<1000000x32xf32, #tpu.memory_space<hbm>>) target(%dma_start3A_379 : memref<50x32xf32, #tpu.memory_space<vmem>>) offsets(%dma_start3A_382 : memref<50xi32, #tpu.memory_space<vmem>>) semaphore(%arg13 : memref<!tpu.dma_semaphore, #tpu.memory_space<semaphore_mem>>)
    %scan3A = arith.constant 0 : i32
    %scan3A_386 = arith.constant 0 : i32
    %scan3A_387 = arith.constant 15 : i32
    %scan3A_388 = arith.addi %scan3A_386, %scan3A_387 : i32
    %scan3A_389 = arith.constant 1 : i32
    scf.for %scan3A_486 = %scan3A_386 to %scan3A_388 step %scan3A_389  : i32 {
      %mul3A_487 = arith.constant 4 : i32
      %mul3A_488 = arith.muli %scan3A_486, %mul3A_487 : i32
      %add3A_489 = arith.constant 0 : i32
      %add3A_490 = arith.addi %mul3A_488, %add3A_489 : i32
      %dma_wait3A_491 = arith.constant 0 : i32
      %dma_wait3A_492 = arith.constant 0 : i32
      %dma_wait3A_493 = arith.constant 0 : i32
      %dma_wait3A_494 = tpu.memref_slice %arg4[%dma_wait3A_491, %dma_wait3A_492, %dma_wait3A_493] : memref<16384x50x32xf32, #tpu.memory_space<hbm>> -> memref<8x50x32xf32, #tpu.memory_space<hbm>>
      %dma_wait3A_495 = arith.constant 0 : i32
      %dma_wait3A_496 = arith.constant 0 : i32
      %dma_wait3A_497 = arith.constant 0 : i32
      %dma_wait3A_498 = tpu.memref_slice %arg4[%dma_wait3A_495, %dma_wait3A_496, %dma_wait3A_497] : memref<16384x50x32xf32, #tpu.memory_space<hbm>> -> memref<8x50x32xf32, #tpu.memory_space<hbm>>
      tpu.wait_dma2 semaphore(%arg10 : memref<!tpu.dma_semaphore, #tpu.memory_space<semaphore_mem>>) src(%dma_wait3A_498 : memref<8x50x32xf32, #tpu.memory_space<hbm>>) dst(%arg6 : memref<8x50x32xf32, #tpu.memory_space<vmem>>)
      %mul3A_499 = arith.constant 8 : i32
      %mul3A_500 = arith.muli %add3A_490, %mul3A_499 : i32
      %add3A_501 = arith.addi %mul3A_2, %mul3A_500 : i32
      %dma_start3A_502 = arith.constant 0 : i32
      %dma_start3A_503 = arith.constant 0 : i32
      %dma_start3A_504 = tpu.memref_slice %arg4[%add3A_501, %dma_start3A_502, %dma_start3A_503] : memref<16384x50x32xf32, #tpu.memory_space<hbm>> -> memref<8x50x32xf32, #tpu.memory_space<hbm>>
      %dma_start3A_505 = arith.constant 0 : i32
      %dma_start3A_506 = arith.constant 0 : i32
      %dma_start3A_507 = tpu.memref_slice %arg4[%add3A_501, %dma_start3A_505, %dma_start3A_506] : memref<16384x50x32xf32, #tpu.memory_space<hbm>> -> memref<8x50x32xf32, #tpu.memory_space<hbm>>
      tpu.enqueue_dma source(%arg6 : memref<8x50x32xf32, #tpu.memory_space<vmem>>) target(%dma_start3A_507 : memref<8x50x32xf32, #tpu.memory_space<hbm>>) target_semaphore(%arg14 : memref<!tpu.dma_semaphore, #tpu.memory_space<semaphore_mem>>)
      %mul3A_508 = arith.constant 8 : i32
      %mul3A_509 = arith.muli %add3A_490, %mul3A_508 : i32
      %add3A_510 = arith.addi %mul3A_2, %mul3A_509 : i32
      %dma_wait3A_511 = arith.constant 0 : i32
      %dma_wait3A_512 = arith.constant 0 : i32
      %dma_wait3A_513 = tpu.memref_slice %arg4[%add3A_510, %dma_wait3A_511, %dma_wait3A_512] : memref<16384x50x32xf32, #tpu.memory_space<hbm>> -> memref<8x50x32xf32, #tpu.memory_space<hbm>>
      %dma_wait3A_514 = arith.constant 0 : i32
      %dma_wait3A_515 = arith.constant 0 : i32
      %dma_wait3A_516 = tpu.memref_slice %arg4[%add3A_510, %dma_wait3A_514, %dma_wait3A_515] : memref<16384x50x32xf32, #tpu.memory_space<hbm>> -> memref<8x50x32xf32, #tpu.memory_space<hbm>>
      tpu.wait_dma2 semaphore(%arg14 : memref<!tpu.dma_semaphore, #tpu.memory_space<semaphore_mem>>) src(%arg6 : memref<8x50x32xf32, #tpu.memory_space<vmem>>) dst(%dma_wait3A_516 : memref<8x50x32xf32, #tpu.memory_space<hbm>>)
      %add3A_517 = arith.constant 4 : i32
      %add3A_518 = arith.addi %add3A_490, %add3A_517 : i32
      %mul3A_519 = arith.constant 8 : i32
      %mul3A_520 = arith.muli %add3A_518, %mul3A_519 : i32
      %add3A_521 = arith.constant 0 : i32
      %add3A_522 = arith.addi %mul3A_520, %add3A_521 : i32
      %dma_start3A_523 = arith.constant 0 : i32
      %dma_start3A_524 = arith.constant 0 : i32
      %dma_start3A_525 = arith.constant 0 : i32
      %dma_start3A_526 = tpu.memref_slice %arg6[%dma_start3A_523, %dma_start3A_524, %dma_start3A_525] : memref<8x50x32xf32, #tpu.memory_space<vmem>> -> memref<1x50x32xf32, #tpu.memory_space<vmem>>
      %dma_start3A_527 = tpu.memref_squeeze %dma_start3A_526 : memref<1x50x32xf32, #tpu.memory_space<vmem>> -> memref<50x32xf32, #tpu.memory_space<vmem>>
      %dma_start3A_528 = arith.constant 0 : i32
      %dma_start3A_529 = tpu.memref_slice %arg5[%add3A_522, %dma_start3A_528] : memref<512x50xi32, #tpu.memory_space<vmem>> -> memref<1x50xi32, #tpu.memory_space<vmem>>
      %dma_start3A_530 = tpu.memref_squeeze %dma_start3A_529 : memref<1x50xi32, #tpu.memory_space<vmem>> -> memref<50xi32, #tpu.memory_space<vmem>>
      %dma_start3A_531 = arith.constant 0 : i32
      %dma_start3A_532 = arith.constant 0 : i32
      %dma_start3A_533 = tpu.memref_slice %arg3[%dma_start3A_531, %dma_start3A_532] : memref<1000000x32xf32, #tpu.memory_space<hbm>> -> memref<1000000x32xf32, #tpu.memory_space<hbm>>
      tpu.enqueue_indirect_dma source(%dma_start3A_533 : memref<1000000x32xf32, #tpu.memory_space<hbm>>) target(%dma_start3A_527 : memref<50x32xf32, #tpu.memory_space<vmem>>) offsets(%dma_start3A_530 : memref<50xi32, #tpu.memory_space<vmem>>) semaphore(%arg10 : memref<!tpu.dma_semaphore, #tpu.memory_space<semaphore_mem>>)
      %mul3A_534 = arith.constant 8 : i32
      %mul3A_535 = arith.muli %add3A_518, %mul3A_534 : i32
      %add3A_536 = arith.constant 1 : i32
      %add3A_537 = arith.addi %mul3A_535, %add3A_536 : i32
      %dma_start3A_538 = arith.constant 1 : i32
      %dma_start3A_539 = arith.constant 0 : i32
      %dma_start3A_540 = arith.constant 0 : i32
      %dma_start3A_541 = tpu.memref_slice %arg6[%dma_start3A_538, %dma_start3A_539, %dma_start3A_540] : memref<8x50x32xf32, #tpu.memory_space<vmem>> -> memref<1x50x32xf32, #tpu.memory_space<vmem>>
      %dma_start3A_542 = tpu.memref_squeeze %dma_start3A_541 : memref<1x50x32xf32, #tpu.memory_space<vmem>> -> memref<50x32xf32, #tpu.memory_space<vmem>>
      %dma_start3A_543 = arith.constant 0 : i32
      %dma_start3A_544 = tpu.memref_slice %arg5[%add3A_537, %dma_start3A_543] : memref<512x50xi32, #tpu.memory_space<vmem>> -> memref<1x50xi32, #tpu.memory_space<vmem>>
      %dma_start3A_545 = tpu.memref_squeeze %dma_start3A_544 : memref<1x50xi32, #tpu.memory_space<vmem>> -> memref<50xi32, #tpu.memory_space<vmem>>
      %dma_start3A_546 = arith.constant 0 : i32
      %dma_start3A_547 = arith.constant 0 : i32
      %dma_start3A_548 = tpu.memref_slice %arg3[%dma_start3A_546, %dma_start3A_547] : memref<1000000x32xf32, #tpu.memory_space<hbm>> -> memref<1000000x32xf32, #tpu.memory_space<hbm>>
      tpu.enqueue_indirect_dma source(%dma_start3A_548 : memref<1000000x32xf32, #tpu.memory_space<hbm>>) target(%dma_start3A_542 : memref<50x32xf32, #tpu.memory_space<vmem>>) offsets(%dma_start3A_545 : memref<50xi32, #tpu.memory_space<vmem>>) semaphore(%arg10 : memref<!tpu.dma_semaphore, #tpu.memory_space<semaphore_mem>>)
      %mul3A_549 = arith.constant 8 : i32
      %mul3A_550 = arith.muli %add3A_518, %mul3A_549 : i32
      %add3A_551 = arith.constant 2 : i32
      %add3A_552 = arith.addi %mul3A_550, %add3A_551 : i32
      %dma_start3A_553 = arith.constant 2 : i32
      %dma_start3A_554 = arith.constant 0 : i32
      %dma_start3A_555 = arith.constant 0 : i32
      %dma_start3A_556 = tpu.memref_slice %arg6[%dma_start3A_553, %dma_start3A_554, %dma_start3A_555] : memref<8x50x32xf32, #tpu.memory_space<vmem>> -> memref<1x50x32xf32, #tpu.memory_space<vmem>>
      %dma_start3A_557 = tpu.memref_squeeze %dma_start3A_556 : memref<1x50x32xf32, #tpu.memory_space<vmem>> -> memref<50x32xf32, #tpu.memory_space<vmem>>
      %dma_start3A_558 = arith.constant 0 : i32
      %dma_start3A_559 = tpu.memref_slice %arg5[%add3A_552, %dma_start3A_558] : memref<512x50xi32, #tpu.memory_space<vmem>> -> memref<1x50xi32, #tpu.memory_space<vmem>>
      %dma_start3A_560 = tpu.memref_squeeze %dma_start3A_559 : memref<1x50xi32, #tpu.memory_space<vmem>> -> memref<50xi32, #tpu.memory_space<vmem>>
      %dma_start3A_561 = arith.constant 0 : i32
      %dma_start3A_562 = arith.constant 0 : i32
      %dma_start3A_563 = tpu.memref_slice %arg3[%dma_start3A_561, %dma_start3A_562] : memref<1000000x32xf32, #tpu.memory_space<hbm>> -> memref<1000000x32xf32, #tpu.memory_space<hbm>>
      tpu.enqueue_indirect_dma source(%dma_start3A_563 : memref<1000000x32xf32, #tpu.memory_space<hbm>>) target(%dma_start3A_557 : memref<50x32xf32, #tpu.memory_space<vmem>>) offsets(%dma_start3A_560 : memref<50xi32, #tpu.memory_space<vmem>>) semaphore(%arg10 : memref<!tpu.dma_semaphore, #tpu.memory_space<semaphore_mem>>)
      %mul3A_564 = arith.constant 8 : i32
      %mul3A_565 = arith.muli %add3A_518, %mul3A_564 : i32
      %add3A_566 = arith.constant 3 : i32
      %add3A_567 = arith.addi %mul3A_565, %add3A_566 : i32
      %dma_start3A_568 = arith.constant 3 : i32
      %dma_start3A_569 = arith.constant 0 : i32
      %dma_start3A_570 = arith.constant 0 : i32
      %dma_start3A_571 = tpu.memref_slice %arg6[%dma_start3A_568, %dma_start3A_569, %dma_start3A_570] : memref<8x50x32xf32, #tpu.memory_space<vmem>> -> memref<1x50x32xf32, #tpu.memory_space<vmem>>
      %dma_start3A_572 = tpu.memref_squeeze %dma_start3A_571 : memref<1x50x32xf32, #tpu.memory_space<vmem>> -> memref<50x32xf32, #tpu.memory_space<vmem>>
      %dma_start3A_573 = arith.constant 0 : i32
      %dma_start3A_574 = tpu.memref_slice %arg5[%add3A_567, %dma_start3A_573] : memref<512x50xi32, #tpu.memory_space<vmem>> -> memref<1x50xi32, #tpu.memory_space<vmem>>
      %dma_start3A_575 = tpu.memref_squeeze %dma_start3A_574 : memref<1x50xi32, #tpu.memory_space<vmem>> -> memref<50xi32, #tpu.memory_space<vmem>>
      %dma_start3A_576 = arith.constant 0 : i32
      %dma_start3A_577 = arith.constant 0 : i32
      %dma_start3A_578 = tpu.memref_slice %arg3[%dma_start3A_576, %dma_start3A_577] : memref<1000000x32xf32, #tpu.memory_space<hbm>> -> memref<1000000x32xf32, #tpu.memory_space<hbm>>
      tpu.enqueue_indirect_dma source(%dma_start3A_578 : memref<1000000x32xf32, #tpu.memory_space<hbm>>) target(%dma_start3A_572 : memref<50x32xf32, #tpu.memory_space<vmem>>) offsets(%dma_start3A_575 : memref<50xi32, #tpu.memory_space<vmem>>) semaphore(%arg10 : memref<!tpu.dma_semaphore, #tpu.memory_space<semaphore_mem>>)
      %mul3A_579 = arith.constant 8 : i32
      %mul3A_580 = arith.muli %add3A_518, %mul3A_579 : i32
      %add3A_581 = arith.constant 4 : i32
      %add3A_582 = arith.addi %mul3A_580, %add3A_581 : i32
      %dma_start3A_583 = arith.constant 4 : i32
      %dma_start3A_584 = arith.constant 0 : i32
      %dma_start3A_585 = arith.constant 0 : i32
      %dma_start3A_586 = tpu.memref_slice %arg6[%dma_start3A_583, %dma_start3A_584, %dma_start3A_585] : memref<8x50x32xf32, #tpu.memory_space<vmem>> -> memref<1x50x32xf32, #tpu.memory_space<vmem>>
      %dma_start3A_587 = tpu.memref_squeeze %dma_start3A_586 : memref<1x50x32xf32, #tpu.memory_space<vmem>> -> memref<50x32xf32, #tpu.memory_space<vmem>>
      %dma_start3A_588 = arith.constant 0 : i32
      %dma_start3A_589 = tpu.memref_slice %arg5[%add3A_582, %dma_start3A_588] : memref<512x50xi32, #tpu.memory_space<vmem>> -> memref<1x50xi32, #tpu.memory_space<vmem>>
      %dma_start3A_590 = tpu.memref_squeeze %dma_start3A_589 : memref<1x50xi32, #tpu.memory_space<vmem>> -> memref<50xi32, #tpu.memory_space<vmem>>
      %dma_start3A_591 = arith.constant 0 : i32
      %dma_start3A_592 = arith.constant 0 : i32
      %dma_start3A_593 = tpu.memref_slice %arg3[%dma_start3A_591, %dma_start3A_592] : memref<1000000x32xf32, #tpu.memory_space<hbm>> -> memref<1000000x32xf32, #tpu.memory_space<hbm>>
      tpu.enqueue_indirect_dma source(%dma_start3A_593 : memref<1000000x32xf32, #tpu.memory_space<hbm>>) target(%dma_start3A_587 : memref<50x32xf32, #tpu.memory_space<vmem>>) offsets(%dma_start3A_590 : memref<50xi32, #tpu.memory_space<vmem>>) semaphore(%arg10 : memref<!tpu.dma_semaphore, #tpu.memory_space<semaphore_mem>>)
      %mul3A_594 = arith.constant 8 : i32
      %mul3A_595 = arith.muli %add3A_518, %mul3A_594 : i32
      %add3A_596 = arith.constant 5 : i32
      %add3A_597 = arith.addi %mul3A_595, %add3A_596 : i32
      %dma_start3A_598 = arith.constant 5 : i32
      %dma_start3A_599 = arith.constant 0 : i32
      %dma_start3A_600 = arith.constant 0 : i32
      %dma_start3A_601 = tpu.memref_slice %arg6[%dma_start3A_598, %dma_start3A_599, %dma_start3A_600] : memref<8x50x32xf32, #tpu.memory_space<vmem>> -> memref<1x50x32xf32, #tpu.memory_space<vmem>>
      %dma_start3A_602 = tpu.memref_squeeze %dma_start3A_601 : memref<1x50x32xf32, #tpu.memory_space<vmem>> -> memref<50x32xf32, #tpu.memory_space<vmem>>
      %dma_start3A_603 = arith.constant 0 : i32
      %dma_start3A_604 = tpu.memref_slice %arg5[%add3A_597, %dma_start3A_603] : memref<512x50xi32, #tpu.memory_space<vmem>> -> memref<1x50xi32, #tpu.memory_space<vmem>>
      %dma_start3A_605 = tpu.memref_squeeze %dma_start3A_604 : memref<1x50xi32, #tpu.memory_space<vmem>> -> memref<50xi32, #tpu.memory_space<vmem>>
      %dma_start3A_606 = arith.constant 0 : i32
      %dma_start3A_607 = arith.constant 0 : i32
      %dma_start3A_608 = tpu.memref_slice %arg3[%dma_start3A_606, %dma_start3A_607] : memref<1000000x32xf32, #tpu.memory_space<hbm>> -> memref<1000000x32xf32, #tpu.memory_space<hbm>>
      tpu.enqueue_indirect_dma source(%dma_start3A_608 : memref<1000000x32xf32, #tpu.memory_space<hbm>>) target(%dma_start3A_602 : memref<50x32xf32, #tpu.memory_space<vmem>>) offsets(%dma_start3A_605 : memref<50xi32, #tpu.memory_space<vmem>>) semaphore(%arg10 : memref<!tpu.dma_semaphore, #tpu.memory_space<semaphore_mem>>)
      %mul3A_609 = arith.constant 8 : i32
      %mul3A_610 = arith.muli %add3A_518, %mul3A_609 : i32
      %add3A_611 = arith.constant 6 : i32
      %add3A_612 = arith.addi %mul3A_610, %add3A_611 : i32
      %dma_start3A_613 = arith.constant 6 : i32
      %dma_start3A_614 = arith.constant 0 : i32
      %dma_start3A_615 = arith.constant 0 : i32
      %dma_start3A_616 = tpu.memref_slice %arg6[%dma_start3A_613, %dma_start3A_614, %dma_start3A_615] : memref<8x50x32xf32, #tpu.memory_space<vmem>> -> memref<1x50x32xf32, #tpu.memory_space<vmem>>
      %dma_start3A_617 = tpu.memref_squeeze %dma_start3A_616 : memref<1x50x32xf32, #tpu.memory_space<vmem>> -> memref<50x32xf32, #tpu.memory_space<vmem>>
      %dma_start3A_618 = arith.constant 0 : i32
      %dma_start3A_619 = tpu.memref_slice %arg5[%add3A_612, %dma_start3A_618] : memref<512x50xi32, #tpu.memory_space<vmem>> -> memref<1x50xi32, #tpu.memory_space<vmem>>
      %dma_start3A_620 = tpu.memref_squeeze %dma_start3A_619 : memref<1x50xi32, #tpu.memory_space<vmem>> -> memref<50xi32, #tpu.memory_space<vmem>>
      %dma_start3A_621 = arith.constant 0 : i32
      %dma_start3A_622 = arith.constant 0 : i32
      %dma_start3A_623 = tpu.memref_slice %arg3[%dma_start3A_621, %dma_start3A_622] : memref<1000000x32xf32, #tpu.memory_space<hbm>> -> memref<1000000x32xf32, #tpu.memory_space<hbm>>
      tpu.enqueue_indirect_dma source(%dma_start3A_623 : memref<1000000x32xf32, #tpu.memory_space<hbm>>) target(%dma_start3A_617 : memref<50x32xf32, #tpu.memory_space<vmem>>) offsets(%dma_start3A_620 : memref<50xi32, #tpu.memory_space<vmem>>) semaphore(%arg10 : memref<!tpu.dma_semaphore, #tpu.memory_space<semaphore_mem>>)
      %mul3A_624 = arith.constant 8 : i32
      %mul3A_625 = arith.muli %add3A_518, %mul3A_624 : i32
      %add3A_626 = arith.constant 7 : i32
      %add3A_627 = arith.addi %mul3A_625, %add3A_626 : i32
      %dma_start3A_628 = arith.constant 7 : i32
      %dma_start3A_629 = arith.constant 0 : i32
      %dma_start3A_630 = arith.constant 0 : i32
      %dma_start3A_631 = tpu.memref_slice %arg6[%dma_start3A_628, %dma_start3A_629, %dma_start3A_630] : memref<8x50x32xf32, #tpu.memory_space<vmem>> -> memref<1x50x32xf32, #tpu.memory_space<vmem>>
      %dma_start3A_632 = tpu.memref_squeeze %dma_start3A_631 : memref<1x50x32xf32, #tpu.memory_space<vmem>> -> memref<50x32xf32, #tpu.memory_space<vmem>>
      %dma_start3A_633 = arith.constant 0 : i32
      %dma_start3A_634 = tpu.memref_slice %arg5[%add3A_627, %dma_start3A_633] : memref<512x50xi32, #tpu.memory_space<vmem>> -> memref<1x50xi32, #tpu.memory_space<vmem>>
      %dma_start3A_635 = tpu.memref_squeeze %dma_start3A_634 : memref<1x50xi32, #tpu.memory_space<vmem>> -> memref<50xi32, #tpu.memory_space<vmem>>
      %dma_start3A_636 = arith.constant 0 : i32
      %dma_start3A_637 = arith.constant 0 : i32
      %dma_start3A_638 = tpu.memref_slice %arg3[%dma_start3A_636, %dma_start3A_637] : memref<1000000x32xf32, #tpu.memory_space<hbm>> -> memref<1000000x32xf32, #tpu.memory_space<hbm>>
      tpu.enqueue_indirect_dma source(%dma_start3A_638 : memref<1000000x32xf32, #tpu.memory_space<hbm>>) target(%dma_start3A_632 : memref<50x32xf32, #tpu.memory_space<vmem>>) offsets(%dma_start3A_635 : memref<50xi32, #tpu.memory_space<vmem>>) semaphore(%arg10 : memref<!tpu.dma_semaphore, #tpu.memory_space<semaphore_mem>>)
      %add3A_639 = arith.constant 1 : i32
      %add3A_640 = arith.addi %mul3A_488, %add3A_639 : i32
      %dma_wait3A_641 = arith.constant 0 : i32
      %dma_wait3A_642 = arith.constant 0 : i32
      %dma_wait3A_643 = arith.constant 0 : i32
      %dma_wait3A_644 = tpu.memref_slice %arg4[%dma_wait3A_641, %dma_wait3A_642, %dma_wait3A_643] : memref<16384x50x32xf32, #tpu.memory_space<hbm>> -> memref<8x50x32xf32, #tpu.memory_space<hbm>>
      %dma_wait3A_645 = arith.constant 0 : i32
      %dma_wait3A_646 = arith.constant 0 : i32
      %dma_wait3A_647 = arith.constant 0 : i32
      %dma_wait3A_648 = tpu.memref_slice %arg4[%dma_wait3A_645, %dma_wait3A_646, %dma_wait3A_647] : memref<16384x50x32xf32, #tpu.memory_space<hbm>> -> memref<8x50x32xf32, #tpu.memory_space<hbm>>
      tpu.wait_dma2 semaphore(%arg11 : memref<!tpu.dma_semaphore, #tpu.memory_space<semaphore_mem>>) src(%dma_wait3A_648 : memref<8x50x32xf32, #tpu.memory_space<hbm>>) dst(%arg7 : memref<8x50x32xf32, #tpu.memory_space<vmem>>)
      %mul3A_649 = arith.constant 8 : i32
      %mul3A_650 = arith.muli %add3A_640, %mul3A_649 : i32
      %add3A_651 = arith.addi %mul3A_2, %mul3A_650 : i32
      %dma_start3A_652 = arith.constant 0 : i32
      %dma_start3A_653 = arith.constant 0 : i32
      %dma_start3A_654 = tpu.memref_slice %arg4[%add3A_651, %dma_start3A_652, %dma_start3A_653] : memref<16384x50x32xf32, #tpu.memory_space<hbm>> -> memref<8x50x32xf32, #tpu.memory_space<hbm>>
      %dma_start3A_655 = arith.constant 0 : i32
      %dma_start3A_656 = arith.constant 0 : i32
      %dma_start3A_657 = tpu.memref_slice %arg4[%add3A_651, %dma_start3A_655, %dma_start3A_656] : memref<16384x50x32xf32, #tpu.memory_space<hbm>> -> memref<8x50x32xf32, #tpu.memory_space<hbm>>
      tpu.enqueue_dma source(%arg7 : memref<8x50x32xf32, #tpu.memory_space<vmem>>) target(%dma_start3A_657 : memref<8x50x32xf32, #tpu.memory_space<hbm>>) target_semaphore(%arg15 : memref<!tpu.dma_semaphore, #tpu.memory_space<semaphore_mem>>)
      %mul3A_658 = arith.constant 8 : i32
      %mul3A_659 = arith.muli %add3A_640, %mul3A_658 : i32
      %add3A_660 = arith.addi %mul3A_2, %mul3A_659 : i32
      %dma_wait3A_661 = arith.constant 0 : i32
      %dma_wait3A_662 = arith.constant 0 : i32
      %dma_wait3A_663 = tpu.memref_slice %arg4[%add3A_660, %dma_wait3A_661, %dma_wait3A_662] : memref<16384x50x32xf32, #tpu.memory_space<hbm>> -> memref<8x50x32xf32, #tpu.memory_space<hbm>>
      %dma_wait3A_664 = arith.constant 0 : i32
      %dma_wait3A_665 = arith.constant 0 : i32
      %dma_wait3A_666 = tpu.memref_slice %arg4[%add3A_660, %dma_wait3A_664, %dma_wait3A_665] : memref<16384x50x32xf32, #tpu.memory_space<hbm>> -> memref<8x50x32xf32, #tpu.memory_space<hbm>>
      tpu.wait_dma2 semaphore(%arg15 : memref<!tpu.dma_semaphore, #tpu.memory_space<semaphore_mem>>) src(%arg7 : memref<8x50x32xf32, #tpu.memory_space<vmem>>) dst(%dma_wait3A_666 : memref<8x50x32xf32, #tpu.memory_space<hbm>>)
      %add3A_667 = arith.constant 4 : i32
      %add3A_668 = arith.addi %add3A_640, %add3A_667 : i32
      %mul3A_669 = arith.constant 8 : i32
      %mul3A_670 = arith.muli %add3A_668, %mul3A_669 : i32
      %add3A_671 = arith.constant 0 : i32
      %add3A_672 = arith.addi %mul3A_670, %add3A_671 : i32
      %dma_start3A_673 = arith.constant 0 : i32
      %dma_start3A_674 = arith.constant 0 : i32
      %dma_start3A_675 = arith.constant 0 : i32
      %dma_start3A_676 = tpu.memref_slice %arg7[%dma_start3A_673, %dma_start3A_674, %dma_start3A_675] : memref<8x50x32xf32, #tpu.memory_space<vmem>> -> memref<1x50x32xf32, #tpu.memory_space<vmem>>
      %dma_start3A_677 = tpu.memref_squeeze %dma_start3A_676 : memref<1x50x32xf32, #tpu.memory_space<vmem>> -> memref<50x32xf32, #tpu.memory_space<vmem>>
      %dma_start3A_678 = arith.constant 0 : i32
      %dma_start3A_679 = tpu.memref_slice %arg5[%add3A_672, %dma_start3A_678] : memref<512x50xi32, #tpu.memory_space<vmem>> -> memref<1x50xi32, #tpu.memory_space<vmem>>
      %dma_start3A_680 = tpu.memref_squeeze %dma_start3A_679 : memref<1x50xi32, #tpu.memory_space<vmem>> -> memref<50xi32, #tpu.memory_space<vmem>>
      %dma_start3A_681 = arith.constant 0 : i32
      %dma_start3A_682 = arith.constant 0 : i32
      %dma_start3A_683 = tpu.memref_slice %arg3[%dma_start3A_681, %dma_start3A_682] : memref<1000000x32xf32, #tpu.memory_space<hbm>> -> memref<1000000x32xf32, #tpu.memory_space<hbm>>
      tpu.enqueue_indirect_dma source(%dma_start3A_683 : memref<1000000x32xf32, #tpu.memory_space<hbm>>) target(%dma_start3A_677 : memref<50x32xf32, #tpu.memory_space<vmem>>) offsets(%dma_start3A_680 : memref<50xi32, #tpu.memory_space<vmem>>) semaphore(%arg11 : memref<!tpu.dma_semaphore, #tpu.memory_space<semaphore_mem>>)
      %mul3A_684 = arith.constant 8 : i32
      %mul3A_685 = arith.muli %add3A_668, %mul3A_684 : i32
      %add3A_686 = arith.constant 1 : i32
      %add3A_687 = arith.addi %mul3A_685, %add3A_686 : i32
      %dma_start3A_688 = arith.constant 1 : i32
      %dma_start3A_689 = arith.constant 0 : i32
      %dma_start3A_690 = arith.constant 0 : i32
      %dma_start3A_691 = tpu.memref_slice %arg7[%dma_start3A_688, %dma_start3A_689, %dma_start3A_690] : memref<8x50x32xf32, #tpu.memory_space<vmem>> -> memref<1x50x32xf32, #tpu.memory_space<vmem>>
      %dma_start3A_692 = tpu.memref_squeeze %dma_start3A_691 : memref<1x50x32xf32, #tpu.memory_space<vmem>> -> memref<50x32xf32, #tpu.memory_space<vmem>>
      %dma_start3A_693 = arith.constant 0 : i32
      %dma_start3A_694 = tpu.memref_slice %arg5[%add3A_687, %dma_start3A_693] : memref<512x50xi32, #tpu.memory_space<vmem>> -> memref<1x50xi32, #tpu.memory_space<vmem>>
      %dma_start3A_695 = tpu.memref_squeeze %dma_start3A_694 : memref<1x50xi32, #tpu.memory_space<vmem>> -> memref<50xi32, #tpu.memory_space<vmem>>
      %dma_start3A_696 = arith.constant 0 : i32
      %dma_start3A_697 = arith.constant 0 : i32
      %dma_start3A_698 = tpu.memref_slice %arg3[%dma_start3A_696, %dma_start3A_697] : memref<1000000x32xf32, #tpu.memory_space<hbm>> -> memref<1000000x32xf32, #tpu.memory_space<hbm>>
      tpu.enqueue_indirect_dma source(%dma_start3A_698 : memref<1000000x32xf32, #tpu.memory_space<hbm>>) target(%dma_start3A_692 : memref<50x32xf32, #tpu.memory_space<vmem>>) offsets(%dma_start3A_695 : memref<50xi32, #tpu.memory_space<vmem>>) semaphore(%arg11 : memref<!tpu.dma_semaphore, #tpu.memory_space<semaphore_mem>>)
      %mul3A_699 = arith.constant 8 : i32
      %mul3A_700 = arith.muli %add3A_668, %mul3A_699 : i32
      %add3A_701 = arith.constant 2 : i32
      %add3A_702 = arith.addi %mul3A_700, %add3A_701 : i32
      %dma_start3A_703 = arith.constant 2 : i32
      %dma_start3A_704 = arith.constant 0 : i32
      %dma_start3A_705 = arith.constant 0 : i32
      %dma_start3A_706 = tpu.memref_slice %arg7[%dma_start3A_703, %dma_start3A_704, %dma_start3A_705] : memref<8x50x32xf32, #tpu.memory_space<vmem>> -> memref<1x50x32xf32, #tpu.memory_space<vmem>>
      %dma_start3A_707 = tpu.memref_squeeze %dma_start3A_706 : memref<1x50x32xf32, #tpu.memory_space<vmem>> -> memref<50x32xf32, #tpu.memory_space<vmem>>
      %dma_start3A_708 = arith.constant 0 : i32
      %dma_start3A_709 = tpu.memref_slice %arg5[%add3A_702, %dma_start3A_708] : memref<512x50xi32, #tpu.memory_space<vmem>> -> memref<1x50xi32, #tpu.memory_space<vmem>>
      %dma_start3A_710 = tpu.memref_squeeze %dma_start3A_709 : memref<1x50xi32, #tpu.memory_space<vmem>> -> memref<50xi32, #tpu.memory_space<vmem>>
      %dma_start3A_711 = arith.constant 0 : i32
      %dma_start3A_712 = arith.constant 0 : i32
      %dma_start3A_713 = tpu.memref_slice %arg3[%dma_start3A_711, %dma_start3A_712] : memref<1000000x32xf32, #tpu.memory_space<hbm>> -> memref<1000000x32xf32, #tpu.memory_space<hbm>>
      tpu.enqueue_indirect_dma source(%dma_start3A_713 : memref<1000000x32xf32, #tpu.memory_space<hbm>>) target(%dma_start3A_707 : memref<50x32xf32, #tpu.memory_space<vmem>>) offsets(%dma_start3A_710 : memref<50xi32, #tpu.memory_space<vmem>>) semaphore(%arg11 : memref<!tpu.dma_semaphore, #tpu.memory_space<semaphore_mem>>)
      %mul3A_714 = arith.constant 8 : i32
      %mul3A_715 = arith.muli %add3A_668, %mul3A_714 : i32
      %add3A_716 = arith.constant 3 : i32
      %add3A_717 = arith.addi %mul3A_715, %add3A_716 : i32
      %dma_start3A_718 = arith.constant 3 : i32
      %dma_start3A_719 = arith.constant 0 : i32
      %dma_start3A_720 = arith.constant 0 : i32
      %dma_start3A_721 = tpu.memref_slice %arg7[%dma_start3A_718, %dma_start3A_719, %dma_start3A_720] : memref<8x50x32xf32, #tpu.memory_space<vmem>> -> memref<1x50x32xf32, #tpu.memory_space<vmem>>
      %dma_start3A_722 = tpu.memref_squeeze %dma_start3A_721 : memref<1x50x32xf32, #tpu.memory_space<vmem>> -> memref<50x32xf32, #tpu.memory_space<vmem>>
      %dma_start3A_723 = arith.constant 0 : i32
      %dma_start3A_724 = tpu.memref_slice %arg5[%add3A_717, %dma_start3A_723] : memref<512x50xi32, #tpu.memory_space<vmem>> -> memref<1x50xi32, #tpu.memory_space<vmem>>
      %dma_start3A_725 = tpu.memref_squeeze %dma_start3A_724 : memref<1x50xi32, #tpu.memory_space<vmem>> -> memref<50xi32, #tpu.memory_space<vmem>>
      %dma_start3A_726 = arith.constant 0 : i32
      %dma_start3A_727 = arith.constant 0 : i32
      %dma_start3A_728 = tpu.memref_slice %arg3[%dma_start3A_726, %dma_start3A_727] : memref<1000000x32xf32, #tpu.memory_space<hbm>> -> memref<1000000x32xf32, #tpu.memory_space<hbm>>
      tpu.enqueue_indirect_dma source(%dma_start3A_728 : memref<1000000x32xf32, #tpu.memory_space<hbm>>) target(%dma_start3A_722 : memref<50x32xf32, #tpu.memory_space<vmem>>) offsets(%dma_start3A_725 : memref<50xi32, #tpu.memory_space<vmem>>) semaphore(%arg11 : memref<!tpu.dma_semaphore, #tpu.memory_space<semaphore_mem>>)
      %mul3A_729 = arith.constant 8 : i32
      %mul3A_730 = arith.muli %add3A_668, %mul3A_729 : i32
      %add3A_731 = arith.constant 4 : i32
      %add3A_732 = arith.addi %mul3A_730, %add3A_731 : i32
      %dma_start3A_733 = arith.constant 4 : i32
      %dma_start3A_734 = arith.constant 0 : i32
      %dma_start3A_735 = arith.constant 0 : i32
      %dma_start3A_736 = tpu.memref_slice %arg7[%dma_start3A_733, %dma_start3A_734, %dma_start3A_735] : memref<8x50x32xf32, #tpu.memory_space<vmem>> -> memref<1x50x32xf32, #tpu.memory_space<vmem>>
      %dma_start3A_737 = tpu.memref_squeeze %dma_start3A_736 : memref<1x50x32xf32, #tpu.memory_space<vmem>> -> memref<50x32xf32, #tpu.memory_space<vmem>>
      %dma_start3A_738 = arith.constant 0 : i32
      %dma_start3A_739 = tpu.memref_slice %arg5[%add3A_732, %dma_start3A_738] : memref<512x50xi32, #tpu.memory_space<vmem>> -> memref<1x50xi32, #tpu.memory_space<vmem>>
      %dma_start3A_740 = tpu.memref_squeeze %dma_start3A_739 : memref<1x50xi32, #tpu.memory_space<vmem>> -> memref<50xi32, #tpu.memory_space<vmem>>
      %dma_start3A_741 = arith.constant 0 : i32
      %dma_start3A_742 = arith.constant 0 : i32
      %dma_start3A_743 = tpu.memref_slice %arg3[%dma_start3A_741, %dma_start3A_742] : memref<1000000x32xf32, #tpu.memory_space<hbm>> -> memref<1000000x32xf32, #tpu.memory_space<hbm>>
      tpu.enqueue_indirect_dma source(%dma_start3A_743 : memref<1000000x32xf32, #tpu.memory_space<hbm>>) target(%dma_start3A_737 : memref<50x32xf32, #tpu.memory_space<vmem>>) offsets(%dma_start3A_740 : memref<50xi32, #tpu.memory_space<vmem>>) semaphore(%arg11 : memref<!tpu.dma_semaphore, #tpu.memory_space<semaphore_mem>>)
      %mul3A_744 = arith.constant 8 : i32
      %mul3A_745 = arith.muli %add3A_668, %mul3A_744 : i32
      %add3A_746 = arith.constant 5 : i32
      %add3A_747 = arith.addi %mul3A_745, %add3A_746 : i32
      %dma_start3A_748 = arith.constant 5 : i32
      %dma_start3A_749 = arith.constant 0 : i32
      %dma_start3A_750 = arith.constant 0 : i32
      %dma_start3A_751 = tpu.memref_slice %arg7[%dma_start3A_748, %dma_start3A_749, %dma_start3A_750] : memref<8x50x32xf32, #tpu.memory_space<vmem>> -> memref<1x50x32xf32, #tpu.memory_space<vmem>>
      %dma_start3A_752 = tpu.memref_squeeze %dma_start3A_751 : memref<1x50x32xf32, #tpu.memory_space<vmem>> -> memref<50x32xf32, #tpu.memory_space<vmem>>
      %dma_start3A_753 = arith.constant 0 : i32
      %dma_start3A_754 = tpu.memref_slice %arg5[%add3A_747, %dma_start3A_753] : memref<512x50xi32, #tpu.memory_space<vmem>> -> memref<1x50xi32, #tpu.memory_space<vmem>>
      %dma_start3A_755 = tpu.memref_squeeze %dma_start3A_754 : memref<1x50xi32, #tpu.memory_space<vmem>> -> memref<50xi32, #tpu.memory_space<vmem>>
      %dma_start3A_756 = arith.constant 0 : i32
      %dma_start3A_757 = arith.constant 0 : i32
      %dma_start3A_758 = tpu.memref_slice %arg3[%dma_start3A_756, %dma_start3A_757] : memref<1000000x32xf32, #tpu.memory_space<hbm>> -> memref<1000000x32xf32, #tpu.memory_space<hbm>>
      tpu.enqueue_indirect_dma source(%dma_start3A_758 : memref<1000000x32xf32, #tpu.memory_space<hbm>>) target(%dma_start3A_752 : memref<50x32xf32, #tpu.memory_space<vmem>>) offsets(%dma_start3A_755 : memref<50xi32, #tpu.memory_space<vmem>>) semaphore(%arg11 : memref<!tpu.dma_semaphore, #tpu.memory_space<semaphore_mem>>)
      %mul3A_759 = arith.constant 8 : i32
      %mul3A_760 = arith.muli %add3A_668, %mul3A_759 : i32
      %add3A_761 = arith.constant 6 : i32
      %add3A_762 = arith.addi %mul3A_760, %add3A_761 : i32
      %dma_start3A_763 = arith.constant 6 : i32
      %dma_start3A_764 = arith.constant 0 : i32
      %dma_start3A_765 = arith.constant 0 : i32
      %dma_start3A_766 = tpu.memref_slice %arg7[%dma_start3A_763, %dma_start3A_764, %dma_start3A_765] : memref<8x50x32xf32, #tpu.memory_space<vmem>> -> memref<1x50x32xf32, #tpu.memory_space<vmem>>
      %dma_start3A_767 = tpu.memref_squeeze %dma_start3A_766 : memref<1x50x32xf32, #tpu.memory_space<vmem>> -> memref<50x32xf32, #tpu.memory_space<vmem>>
      %dma_start3A_768 = arith.constant 0 : i32
      %dma_start3A_769 = tpu.memref_slice %arg5[%add3A_762, %dma_start3A_768] : memref<512x50xi32, #tpu.memory_space<vmem>> -> memref<1x50xi32, #tpu.memory_space<vmem>>
      %dma_start3A_770 = tpu.memref_squeeze %dma_start3A_769 : memref<1x50xi32, #tpu.memory_space<vmem>> -> memref<50xi32, #tpu.memory_space<vmem>>
      %dma_start3A_771 = arith.constant 0 : i32
      %dma_start3A_772 = arith.constant 0 : i32
      %dma_start3A_773 = tpu.memref_slice %arg3[%dma_start3A_771, %dma_start3A_772] : memref<1000000x32xf32, #tpu.memory_space<hbm>> -> memref<1000000x32xf32, #tpu.memory_space<hbm>>
      tpu.enqueue_indirect_dma source(%dma_start3A_773 : memref<1000000x32xf32, #tpu.memory_space<hbm>>) target(%dma_start3A_767 : memref<50x32xf32, #tpu.memory_space<vmem>>) offsets(%dma_start3A_770 : memref<50xi32, #tpu.memory_space<vmem>>) semaphore(%arg11 : memref<!tpu.dma_semaphore, #tpu.memory_space<semaphore_mem>>)
      %mul3A_774 = arith.constant 8 : i32
      %mul3A_775 = arith.muli %add3A_668, %mul3A_774 : i32
      %add3A_776 = arith.constant 7 : i32
      %add3A_777 = arith.addi %mul3A_775, %add3A_776 : i32
      %dma_start3A_778 = arith.constant 7 : i32
      %dma_start3A_779 = arith.constant 0 : i32
      %dma_start3A_780 = arith.constant 0 : i32
      %dma_start3A_781 = tpu.memref_slice %arg7[%dma_start3A_778, %dma_start3A_779, %dma_start3A_780] : memref<8x50x32xf32, #tpu.memory_space<vmem>> -> memref<1x50x32xf32, #tpu.memory_space<vmem>>
      %dma_start3A_782 = tpu.memref_squeeze %dma_start3A_781 : memref<1x50x32xf32, #tpu.memory_space<vmem>> -> memref<50x32xf32, #tpu.memory_space<vmem>>
      %dma_start3A_783 = arith.constant 0 : i32
      %dma_start3A_784 = tpu.memref_slice %arg5[%add3A_777, %dma_start3A_783] : memref<512x50xi32, #tpu.memory_space<vmem>> -> memref<1x50xi32, #tpu.memory_space<vmem>>
      %dma_start3A_785 = tpu.memref_squeeze %dma_start3A_784 : memref<1x50xi32, #tpu.memory_space<vmem>> -> memref<50xi32, #tpu.memory_space<vmem>>
      %dma_start3A_786 = arith.constant 0 : i32
      %dma_start3A_787 = arith.constant 0 : i32
      %dma_start3A_788 = tpu.memref_slice %arg3[%dma_start3A_786, %dma_start3A_787] : memref<1000000x32xf32, #tpu.memory_space<hbm>> -> memref<1000000x32xf32, #tpu.memory_space<hbm>>
      tpu.enqueue_indirect_dma source(%dma_start3A_788 : memref<1000000x32xf32, #tpu.memory_space<hbm>>) target(%dma_start3A_782 : memref<50x32xf32, #tpu.memory_space<vmem>>) offsets(%dma_start3A_785 : memref<50xi32, #tpu.memory_space<vmem>>) semaphore(%arg11 : memref<!tpu.dma_semaphore, #tpu.memory_space<semaphore_mem>>)
      %add3A_789 = arith.constant 2 : i32
      %add3A_790 = arith.addi %mul3A_488, %add3A_789 : i32
      %dma_wait3A_791 = arith.constant 0 : i32
      %dma_wait3A_792 = arith.constant 0 : i32
      %dma_wait3A_793 = arith.constant 0 : i32
      %dma_wait3A_794 = tpu.memref_slice %arg4[%dma_wait3A_791, %dma_wait3A_792, %dma_wait3A_793] : memref<16384x50x32xf32, #tpu.memory_space<hbm>> -> memref<8x50x32xf32, #tpu.memory_space<hbm>>
      %dma_wait3A_795 = arith.constant 0 : i32
      %dma_wait3A_796 = arith.constant 0 : i32
      %dma_wait3A_797 = arith.constant 0 : i32
      %dma_wait3A_798 = tpu.memref_slice %arg4[%dma_wait3A_795, %dma_wait3A_796, %dma_wait3A_797] : memref<16384x50x32xf32, #tpu.memory_space<hbm>> -> memref<8x50x32xf32, #tpu.memory_space<hbm>>
      tpu.wait_dma2 semaphore(%arg12 : memref<!tpu.dma_semaphore, #tpu.memory_space<semaphore_mem>>) src(%dma_wait3A_798 : memref<8x50x32xf32, #tpu.memory_space<hbm>>) dst(%arg8 : memref<8x50x32xf32, #tpu.memory_space<vmem>>)
      %mul3A_799 = arith.constant 8 : i32
      %mul3A_800 = arith.muli %add3A_790, %mul3A_799 : i32
      %add3A_801 = arith.addi %mul3A_2, %mul3A_800 : i32
      %dma_start3A_802 = arith.constant 0 : i32
      %dma_start3A_803 = arith.constant 0 : i32
      %dma_start3A_804 = tpu.memref_slice %arg4[%add3A_801, %dma_start3A_802, %dma_start3A_803] : memref<16384x50x32xf32, #tpu.memory_space<hbm>> -> memref<8x50x32xf32, #tpu.memory_space<hbm>>
      %dma_start3A_805 = arith.constant 0 : i32
      %dma_start3A_806 = arith.constant 0 : i32
      %dma_start3A_807 = tpu.memref_slice %arg4[%add3A_801, %dma_start3A_805, %dma_start3A_806] : memref<16384x50x32xf32, #tpu.memory_space<hbm>> -> memref<8x50x32xf32, #tpu.memory_space<hbm>>
      tpu.enqueue_dma source(%arg8 : memref<8x50x32xf32, #tpu.memory_space<vmem>>) target(%dma_start3A_807 : memref<8x50x32xf32, #tpu.memory_space<hbm>>) target_semaphore(%arg16 : memref<!tpu.dma_semaphore, #tpu.memory_space<semaphore_mem>>)
      %mul3A_808 = arith.constant 8 : i32
      %mul3A_809 = arith.muli %add3A_790, %mul3A_808 : i32
      %add3A_810 = arith.addi %mul3A_2, %mul3A_809 : i32
      %dma_wait3A_811 = arith.constant 0 : i32
      %dma_wait3A_812 = arith.constant 0 : i32
      %dma_wait3A_813 = tpu.memref_slice %arg4[%add3A_810, %dma_wait3A_811, %dma_wait3A_812] : memref<16384x50x32xf32, #tpu.memory_space<hbm>> -> memref<8x50x32xf32, #tpu.memory_space<hbm>>
      %dma_wait3A_814 = arith.constant 0 : i32
      %dma_wait3A_815 = arith.constant 0 : i32
      %dma_wait3A_816 = tpu.memref_slice %arg4[%add3A_810, %dma_wait3A_814, %dma_wait3A_815] : memref<16384x50x32xf32, #tpu.memory_space<hbm>> -> memref<8x50x32xf32, #tpu.memory_space<hbm>>
      tpu.wait_dma2 semaphore(%arg16 : memref<!tpu.dma_semaphore, #tpu.memory_space<semaphore_mem>>) src(%arg8 : memref<8x50x32xf32, #tpu.memory_space<vmem>>) dst(%dma_wait3A_816 : memref<8x50x32xf32, #tpu.memory_space<hbm>>)
      %add3A_817 = arith.constant 4 : i32
      %add3A_818 = arith.addi %add3A_790, %add3A_817 : i32
      %mul3A_819 = arith.constant 8 : i32
      %mul3A_820 = arith.muli %add3A_818, %mul3A_819 : i32
      %add3A_821 = arith.constant 0 : i32
      %add3A_822 = arith.addi %mul3A_820, %add3A_821 : i32
      %dma_start3A_823 = arith.constant 0 : i32
      %dma_start3A_824 = arith.constant 0 : i32
      %dma_start3A_825 = arith.constant 0 : i32
      %dma_start3A_826 = tpu.memref_slice %arg8[%dma_start3A_823, %dma_start3A_824, %dma_start3A_825] : memref<8x50x32xf32, #tpu.memory_space<vmem>> -> memref<1x50x32xf32, #tpu.memory_space<vmem>>
      %dma_start3A_827 = tpu.memref_squeeze %dma_start3A_826 : memref<1x50x32xf32, #tpu.memory_space<vmem>> -> memref<50x32xf32, #tpu.memory_space<vmem>>
      %dma_start3A_828 = arith.constant 0 : i32
      %dma_start3A_829 = tpu.memref_slice %arg5[%add3A_822, %dma_start3A_828] : memref<512x50xi32, #tpu.memory_space<vmem>> -> memref<1x50xi32, #tpu.memory_space<vmem>>
      %dma_start3A_830 = tpu.memref_squeeze %dma_start3A_829 : memref<1x50xi32, #tpu.memory_space<vmem>> -> memref<50xi32, #tpu.memory_space<vmem>>
      %dma_start3A_831 = arith.constant 0 : i32
      %dma_start3A_832 = arith.constant 0 : i32
      %dma_start3A_833 = tpu.memref_slice %arg3[%dma_start3A_831, %dma_start3A_832] : memref<1000000x32xf32, #tpu.memory_space<hbm>> -> memref<1000000x32xf32, #tpu.memory_space<hbm>>
      tpu.enqueue_indirect_dma source(%dma_start3A_833 : memref<1000000x32xf32, #tpu.memory_space<hbm>>) target(%dma_start3A_827 : memref<50x32xf32, #tpu.memory_space<vmem>>) offsets(%dma_start3A_830 : memref<50xi32, #tpu.memory_space<vmem>>) semaphore(%arg12 : memref<!tpu.dma_semaphore, #tpu.memory_space<semaphore_mem>>)
      %mul3A_834 = arith.constant 8 : i32
      %mul3A_835 = arith.muli %add3A_818, %mul3A_834 : i32
      %add3A_836 = arith.constant 1 : i32
      %add3A_837 = arith.addi %mul3A_835, %add3A_836 : i32
      %dma_start3A_838 = arith.constant 1 : i32
      %dma_start3A_839 = arith.constant 0 : i32
      %dma_start3A_840 = arith.constant 0 : i32
      %dma_start3A_841 = tpu.memref_slice %arg8[%dma_start3A_838, %dma_start3A_839, %dma_start3A_840] : memref<8x50x32xf32, #tpu.memory_space<vmem>> -> memref<1x50x32xf32, #tpu.memory_space<vmem>>
      %dma_start3A_842 = tpu.memref_squeeze %dma_start3A_841 : memref<1x50x32xf32, #tpu.memory_space<vmem>> -> memref<50x32xf32, #tpu.memory_space<vmem>>
      %dma_start3A_843 = arith.constant 0 : i32
      %dma_start3A_844 = tpu.memref_slice %arg5[%add3A_837, %dma_start3A_843] : memref<512x50xi32, #tpu.memory_space<vmem>> -> memref<1x50xi32, #tpu.memory_space<vmem>>
      %dma_start3A_845 = tpu.memref_squeeze %dma_start3A_844 : memref<1x50xi32, #tpu.memory_space<vmem>> -> memref<50xi32, #tpu.memory_space<vmem>>
      %dma_start3A_846 = arith.constant 0 : i32
      %dma_start3A_847 = arith.constant 0 : i32
      %dma_start3A_848 = tpu.memref_slice %arg3[%dma_start3A_846, %dma_start3A_847] : memref<1000000x32xf32, #tpu.memory_space<hbm>> -> memref<1000000x32xf32, #tpu.memory_space<hbm>>
      tpu.enqueue_indirect_dma source(%dma_start3A_848 : memref<1000000x32xf32, #tpu.memory_space<hbm>>) target(%dma_start3A_842 : memref<50x32xf32, #tpu.memory_space<vmem>>) offsets(%dma_start3A_845 : memref<50xi32, #tpu.memory_space<vmem>>) semaphore(%arg12 : memref<!tpu.dma_semaphore, #tpu.memory_space<semaphore_mem>>)
      %mul3A_849 = arith.constant 8 : i32
      %mul3A_850 = arith.muli %add3A_818, %mul3A_849 : i32
      %add3A_851 = arith.constant 2 : i32
      %add3A_852 = arith.addi %mul3A_850, %add3A_851 : i32
      %dma_start3A_853 = arith.constant 2 : i32
      %dma_start3A_854 = arith.constant 0 : i32
      %dma_start3A_855 = arith.constant 0 : i32
      %dma_start3A_856 = tpu.memref_slice %arg8[%dma_start3A_853, %dma_start3A_854, %dma_start3A_855] : memref<8x50x32xf32, #tpu.memory_space<vmem>> -> memref<1x50x32xf32, #tpu.memory_space<vmem>>
      %dma_start3A_857 = tpu.memref_squeeze %dma_start3A_856 : memref<1x50x32xf32, #tpu.memory_space<vmem>> -> memref<50x32xf32, #tpu.memory_space<vmem>>
      %dma_start3A_858 = arith.constant 0 : i32
      %dma_start3A_859 = tpu.memref_slice %arg5[%add3A_852, %dma_start3A_858] : memref<512x50xi32, #tpu.memory_space<vmem>> -> memref<1x50xi32, #tpu.memory_space<vmem>>
      %dma_start3A_860 = tpu.memref_squeeze %dma_start3A_859 : memref<1x50xi32, #tpu.memory_space<vmem>> -> memref<50xi32, #tpu.memory_space<vmem>>
      %dma_start3A_861 = arith.constant 0 : i32
      %dma_start3A_862 = arith.constant 0 : i32
      %dma_start3A_863 = tpu.memref_slice %arg3[%dma_start3A_861, %dma_start3A_862] : memref<1000000x32xf32, #tpu.memory_space<hbm>> -> memref<1000000x32xf32, #tpu.memory_space<hbm>>
      tpu.enqueue_indirect_dma source(%dma_start3A_863 : memref<1000000x32xf32, #tpu.memory_space<hbm>>) target(%dma_start3A_857 : memref<50x32xf32, #tpu.memory_space<vmem>>) offsets(%dma_start3A_860 : memref<50xi32, #tpu.memory_space<vmem>>) semaphore(%arg12 : memref<!tpu.dma_semaphore, #tpu.memory_space<semaphore_mem>>)
      %mul3A_864 = arith.constant 8 : i32
      %mul3A_865 = arith.muli %add3A_818, %mul3A_864 : i32
      %add3A_866 = arith.constant 3 : i32
      %add3A_867 = arith.addi %mul3A_865, %add3A_866 : i32
      %dma_start3A_868 = arith.constant 3 : i32
      %dma_start3A_869 = arith.constant 0 : i32
      %dma_start3A_870 = arith.constant 0 : i32
      %dma_start3A_871 = tpu.memref_slice %arg8[%dma_start3A_868, %dma_start3A_869, %dma_start3A_870] : memref<8x50x32xf32, #tpu.memory_space<vmem>> -> memref<1x50x32xf32, #tpu.memory_space<vmem>>
      %dma_start3A_872 = tpu.memref_squeeze %dma_start3A_871 : memref<1x50x32xf32, #tpu.memory_space<vmem>> -> memref<50x32xf32, #tpu.memory_space<vmem>>
      %dma_start3A_873 = arith.constant 0 : i32
      %dma_start3A_874 = tpu.memref_slice %arg5[%add3A_867, %dma_start3A_873] : memref<512x50xi32, #tpu.memory_space<vmem>> -> memref<1x50xi32, #tpu.memory_space<vmem>>
      %dma_start3A_875 = tpu.memref_squeeze %dma_start3A_874 : memref<1x50xi32, #tpu.memory_space<vmem>> -> memref<50xi32, #tpu.memory_space<vmem>>
      %dma_start3A_876 = arith.constant 0 : i32
      %dma_start3A_877 = arith.constant 0 : i32
      %dma_start3A_878 = tpu.memref_slice %arg3[%dma_start3A_876, %dma_start3A_877] : memref<1000000x32xf32, #tpu.memory_space<hbm>> -> memref<1000000x32xf32, #tpu.memory_space<hbm>>
      tpu.enqueue_indirect_dma source(%dma_start3A_878 : memref<1000000x32xf32, #tpu.memory_space<hbm>>) target(%dma_start3A_872 : memref<50x32xf32, #tpu.memory_space<vmem>>) offsets(%dma_start3A_875 : memref<50xi32, #tpu.memory_space<vmem>>) semaphore(%arg12 : memref<!tpu.dma_semaphore, #tpu.memory_space<semaphore_mem>>)
      %mul3A_879 = arith.constant 8 : i32
      %mul3A_880 = arith.muli %add3A_818, %mul3A_879 : i32
      %add3A_881 = arith.constant 4 : i32
      %add3A_882 = arith.addi %mul3A_880, %add3A_881 : i32
      %dma_start3A_883 = arith.constant 4 : i32
      %dma_start3A_884 = arith.constant 0 : i32
      %dma_start3A_885 = arith.constant 0 : i32
      %dma_start3A_886 = tpu.memref_slice %arg8[%dma_start3A_883, %dma_start3A_884, %dma_start3A_885] : memref<8x50x32xf32, #tpu.memory_space<vmem>> -> memref<1x50x32xf32, #tpu.memory_space<vmem>>
      %dma_start3A_887 = tpu.memref_squeeze %dma_start3A_886 : memref<1x50x32xf32, #tpu.memory_space<vmem>> -> memref<50x32xf32, #tpu.memory_space<vmem>>
      %dma_start3A_888 = arith.constant 0 : i32
      %dma_start3A_889 = tpu.memref_slice %arg5[%add3A_882, %dma_start3A_888] : memref<512x50xi32, #tpu.memory_space<vmem>> -> memref<1x50xi32, #tpu.memory_space<vmem>>
      %dma_start3A_890 = tpu.memref_squeeze %dma_start3A_889 : memref<1x50xi32, #tpu.memory_space<vmem>> -> memref<50xi32, #tpu.memory_space<vmem>>
      %dma_start3A_891 = arith.constant 0 : i32
      %dma_start3A_892 = arith.constant 0 : i32
      %dma_start3A_893 = tpu.memref_slice %arg3[%dma_start3A_891, %dma_start3A_892] : memref<1000000x32xf32, #tpu.memory_space<hbm>> -> memref<1000000x32xf32, #tpu.memory_space<hbm>>
      tpu.enqueue_indirect_dma source(%dma_start3A_893 : memref<1000000x32xf32, #tpu.memory_space<hbm>>) target(%dma_start3A_887 : memref<50x32xf32, #tpu.memory_space<vmem>>) offsets(%dma_start3A_890 : memref<50xi32, #tpu.memory_space<vmem>>) semaphore(%arg12 : memref<!tpu.dma_semaphore, #tpu.memory_space<semaphore_mem>>)
      %mul3A_894 = arith.constant 8 : i32
      %mul3A_895 = arith.muli %add3A_818, %mul3A_894 : i32
      %add3A_896 = arith.constant 5 : i32
      %add3A_897 = arith.addi %mul3A_895, %add3A_896 : i32
      %dma_start3A_898 = arith.constant 5 : i32
      %dma_start3A_899 = arith.constant 0 : i32
      %dma_start3A_900 = arith.constant 0 : i32
      %dma_start3A_901 = tpu.memref_slice %arg8[%dma_start3A_898, %dma_start3A_899, %dma_start3A_900] : memref<8x50x32xf32, #tpu.memory_space<vmem>> -> memref<1x50x32xf32, #tpu.memory_space<vmem>>
      %dma_start3A_902 = tpu.memref_squeeze %dma_start3A_901 : memref<1x50x32xf32, #tpu.memory_space<vmem>> -> memref<50x32xf32, #tpu.memory_space<vmem>>
      %dma_start3A_903 = arith.constant 0 : i32
      %dma_start3A_904 = tpu.memref_slice %arg5[%add3A_897, %dma_start3A_903] : memref<512x50xi32, #tpu.memory_space<vmem>> -> memref<1x50xi32, #tpu.memory_space<vmem>>
      %dma_start3A_905 = tpu.memref_squeeze %dma_start3A_904 : memref<1x50xi32, #tpu.memory_space<vmem>> -> memref<50xi32, #tpu.memory_space<vmem>>
      %dma_start3A_906 = arith.constant 0 : i32
      %dma_start3A_907 = arith.constant 0 : i32
      %dma_start3A_908 = tpu.memref_slice %arg3[%dma_start3A_906, %dma_start3A_907] : memref<1000000x32xf32, #tpu.memory_space<hbm>> -> memref<1000000x32xf32, #tpu.memory_space<hbm>>
      tpu.enqueue_indirect_dma source(%dma_start3A_908 : memref<1000000x32xf32, #tpu.memory_space<hbm>>) target(%dma_start3A_902 : memref<50x32xf32, #tpu.memory_space<vmem>>) offsets(%dma_start3A_905 : memref<50xi32, #tpu.memory_space<vmem>>) semaphore(%arg12 : memref<!tpu.dma_semaphore, #tpu.memory_space<semaphore_mem>>)
      %mul3A_909 = arith.constant 8 : i32
      %mul3A_910 = arith.muli %add3A_818, %mul3A_909 : i32
      %add3A_911 = arith.constant 6 : i32
      %add3A_912 = arith.addi %mul3A_910, %add3A_911 : i32
      %dma_start3A_913 = arith.constant 6 : i32
      %dma_start3A_914 = arith.constant 0 : i32
      %dma_start3A_915 = arith.constant 0 : i32
      %dma_start3A_916 = tpu.memref_slice %arg8[%dma_start3A_913, %dma_start3A_914, %dma_start3A_915] : memref<8x50x32xf32, #tpu.memory_space<vmem>> -> memref<1x50x32xf32, #tpu.memory_space<vmem>>
      %dma_start3A_917 = tpu.memref_squeeze %dma_start3A_916 : memref<1x50x32xf32, #tpu.memory_space<vmem>> -> memref<50x32xf32, #tpu.memory_space<vmem>>
      %dma_start3A_918 = arith.constant 0 : i32
      %dma_start3A_919 = tpu.memref_slice %arg5[%add3A_912, %dma_start3A_918] : memref<512x50xi32, #tpu.memory_space<vmem>> -> memref<1x50xi32, #tpu.memory_space<vmem>>
      %dma_start3A_920 = tpu.memref_squeeze %dma_start3A_919 : memref<1x50xi32, #tpu.memory_space<vmem>> -> memref<50xi32, #tpu.memory_space<vmem>>
      %dma_start3A_921 = arith.constant 0 : i32
      %dma_start3A_922 = arith.constant 0 : i32
      %dma_start3A_923 = tpu.memref_slice %arg3[%dma_start3A_921, %dma_start3A_922] : memref<1000000x32xf32, #tpu.memory_space<hbm>> -> memref<1000000x32xf32, #tpu.memory_space<hbm>>
      tpu.enqueue_indirect_dma source(%dma_start3A_923 : memref<1000000x32xf32, #tpu.memory_space<hbm>>) target(%dma_start3A_917 : memref<50x32xf32, #tpu.memory_space<vmem>>) offsets(%dma_start3A_920 : memref<50xi32, #tpu.memory_space<vmem>>) semaphore(%arg12 : memref<!tpu.dma_semaphore, #tpu.memory_space<semaphore_mem>>)
      %mul3A_924 = arith.constant 8 : i32
      %mul3A_925 = arith.muli %add3A_818, %mul3A_924 : i32
      %add3A_926 = arith.constant 7 : i32
      %add3A_927 = arith.addi %mul3A_925, %add3A_926 : i32
      %dma_start3A_928 = arith.constant 7 : i32
      %dma_start3A_929 = arith.constant 0 : i32
      %dma_start3A_930 = arith.constant 0 : i32
      %dma_start3A_931 = tpu.memref_slice %arg8[%dma_start3A_928, %dma_start3A_929, %dma_start3A_930] : memref<8x50x32xf32, #tpu.memory_space<vmem>> -> memref<1x50x32xf32, #tpu.memory_space<vmem>>
      %dma_start3A_932 = tpu.memref_squeeze %dma_start3A_931 : memref<1x50x32xf32, #tpu.memory_space<vmem>> -> memref<50x32xf32, #tpu.memory_space<vmem>>
      %dma_start3A_933 = arith.constant 0 : i32
      %dma_start3A_934 = tpu.memref_slice %arg5[%add3A_927, %dma_start3A_933] : memref<512x50xi32, #tpu.memory_space<vmem>> -> memref<1x50xi32, #tpu.memory_space<vmem>>
      %dma_start3A_935 = tpu.memref_squeeze %dma_start3A_934 : memref<1x50xi32, #tpu.memory_space<vmem>> -> memref<50xi32, #tpu.memory_space<vmem>>
      %dma_start3A_936 = arith.constant 0 : i32
      %dma_start3A_937 = arith.constant 0 : i32
      %dma_start3A_938 = tpu.memref_slice %arg3[%dma_start3A_936, %dma_start3A_937] : memref<1000000x32xf32, #tpu.memory_space<hbm>> -> memref<1000000x32xf32, #tpu.memory_space<hbm>>
      tpu.enqueue_indirect_dma source(%dma_start3A_938 : memref<1000000x32xf32, #tpu.memory_space<hbm>>) target(%dma_start3A_932 : memref<50x32xf32, #tpu.memory_space<vmem>>) offsets(%dma_start3A_935 : memref<50xi32, #tpu.memory_space<vmem>>) semaphore(%arg12 : memref<!tpu.dma_semaphore, #tpu.memory_space<semaphore_mem>>)
      %add3A_939 = arith.constant 3 : i32
      %add3A_940 = arith.addi %mul3A_488, %add3A_939 : i32
      %dma_wait3A_941 = arith.constant 0 : i32
      %dma_wait3A_942 = arith.constant 0 : i32
      %dma_wait3A_943 = arith.constant 0 : i32
      %dma_wait3A_944 = tpu.memref_slice %arg4[%dma_wait3A_941, %dma_wait3A_942, %dma_wait3A_943] : memref<16384x50x32xf32, #tpu.memory_space<hbm>> -> memref<8x50x32xf32, #tpu.memory_space<hbm>>
      %dma_wait3A_945 = arith.constant 0 : i32
      %dma_wait3A_946 = arith.constant 0 : i32
      %dma_wait3A_947 = arith.constant 0 : i32
      %dma_wait3A_948 = tpu.memref_slice %arg4[%dma_wait3A_945, %dma_wait3A_946, %dma_wait3A_947] : memref<16384x50x32xf32, #tpu.memory_space<hbm>> -> memref<8x50x32xf32, #tpu.memory_space<hbm>>
      tpu.wait_dma2 semaphore(%arg13 : memref<!tpu.dma_semaphore, #tpu.memory_space<semaphore_mem>>) src(%dma_wait3A_948 : memref<8x50x32xf32, #tpu.memory_space<hbm>>) dst(%arg9 : memref<8x50x32xf32, #tpu.memory_space<vmem>>)
      %mul3A_949 = arith.constant 8 : i32
      %mul3A_950 = arith.muli %add3A_940, %mul3A_949 : i32
      %add3A_951 = arith.addi %mul3A_2, %mul3A_950 : i32
      %dma_start3A_952 = arith.constant 0 : i32
      %dma_start3A_953 = arith.constant 0 : i32
      %dma_start3A_954 = tpu.memref_slice %arg4[%add3A_951, %dma_start3A_952, %dma_start3A_953] : memref<16384x50x32xf32, #tpu.memory_space<hbm>> -> memref<8x50x32xf32, #tpu.memory_space<hbm>>
      %dma_start3A_955 = arith.constant 0 : i32
      %dma_start3A_956 = arith.constant 0 : i32
      %dma_start3A_957 = tpu.memref_slice %arg4[%add3A_951, %dma_start3A_955, %dma_start3A_956] : memref<16384x50x32xf32, #tpu.memory_space<hbm>> -> memref<8x50x32xf32, #tpu.memory_space<hbm>>
      tpu.enqueue_dma source(%arg9 : memref<8x50x32xf32, #tpu.memory_space<vmem>>) target(%dma_start3A_957 : memref<8x50x32xf32, #tpu.memory_space<hbm>>) target_semaphore(%arg17 : memref<!tpu.dma_semaphore, #tpu.memory_space<semaphore_mem>>)
      %mul3A_958 = arith.constant 8 : i32
      %mul3A_959 = arith.muli %add3A_940, %mul3A_958 : i32
      %add3A_960 = arith.addi %mul3A_2, %mul3A_959 : i32
      %dma_wait3A_961 = arith.constant 0 : i32
      %dma_wait3A_962 = arith.constant 0 : i32
      %dma_wait3A_963 = tpu.memref_slice %arg4[%add3A_960, %dma_wait3A_961, %dma_wait3A_962] : memref<16384x50x32xf32, #tpu.memory_space<hbm>> -> memref<8x50x32xf32, #tpu.memory_space<hbm>>
      %dma_wait3A_964 = arith.constant 0 : i32
      %dma_wait3A_965 = arith.constant 0 : i32
      %dma_wait3A_966 = tpu.memref_slice %arg4[%add3A_960, %dma_wait3A_964, %dma_wait3A_965] : memref<16384x50x32xf32, #tpu.memory_space<hbm>> -> memref<8x50x32xf32, #tpu.memory_space<hbm>>
      tpu.wait_dma2 semaphore(%arg17 : memref<!tpu.dma_semaphore, #tpu.memory_space<semaphore_mem>>) src(%arg9 : memref<8x50x32xf32, #tpu.memory_space<vmem>>) dst(%dma_wait3A_966 : memref<8x50x32xf32, #tpu.memory_space<hbm>>)
      %add3A_967 = arith.constant 4 : i32
      %add3A_968 = arith.addi %add3A_940, %add3A_967 : i32
      %mul3A_969 = arith.constant 8 : i32
      %mul3A_970 = arith.muli %add3A_968, %mul3A_969 : i32
      %add3A_971 = arith.constant 0 : i32
      %add3A_972 = arith.addi %mul3A_970, %add3A_971 : i32
      %dma_start3A_973 = arith.constant 0 : i32
      %dma_start3A_974 = arith.constant 0 : i32
      %dma_start3A_975 = arith.constant 0 : i32
      %dma_start3A_976 = tpu.memref_slice %arg9[%dma_start3A_973, %dma_start3A_974, %dma_start3A_975] : memref<8x50x32xf32, #tpu.memory_space<vmem>> -> memref<1x50x32xf32, #tpu.memory_space<vmem>>
      %dma_start3A_977 = tpu.memref_squeeze %dma_start3A_976 : memref<1x50x32xf32, #tpu.memory_space<vmem>> -> memref<50x32xf32, #tpu.memory_space<vmem>>
      %dma_start3A_978 = arith.constant 0 : i32
      %dma_start3A_979 = tpu.memref_slice %arg5[%add3A_972, %dma_start3A_978] : memref<512x50xi32, #tpu.memory_space<vmem>> -> memref<1x50xi32, #tpu.memory_space<vmem>>
      %dma_start3A_980 = tpu.memref_squeeze %dma_start3A_979 : memref<1x50xi32, #tpu.memory_space<vmem>> -> memref<50xi32, #tpu.memory_space<vmem>>
      %dma_start3A_981 = arith.constant 0 : i32
      %dma_start3A_982 = arith.constant 0 : i32
      %dma_start3A_983 = tpu.memref_slice %arg3[%dma_start3A_981, %dma_start3A_982] : memref<1000000x32xf32, #tpu.memory_space<hbm>> -> memref<1000000x32xf32, #tpu.memory_space<hbm>>
      tpu.enqueue_indirect_dma source(%dma_start3A_983 : memref<1000000x32xf32, #tpu.memory_space<hbm>>) target(%dma_start3A_977 : memref<50x32xf32, #tpu.memory_space<vmem>>) offsets(%dma_start3A_980 : memref<50xi32, #tpu.memory_space<vmem>>) semaphore(%arg13 : memref<!tpu.dma_semaphore, #tpu.memory_space<semaphore_mem>>)
      %mul3A_984 = arith.constant 8 : i32
      %mul3A_985 = arith.muli %add3A_968, %mul3A_984 : i32
      %add3A_986 = arith.constant 1 : i32
      %add3A_987 = arith.addi %mul3A_985, %add3A_986 : i32
      %dma_start3A_988 = arith.constant 1 : i32
      %dma_start3A_989 = arith.constant 0 : i32
      %dma_start3A_990 = arith.constant 0 : i32
      %dma_start3A_991 = tpu.memref_slice %arg9[%dma_start3A_988, %dma_start3A_989, %dma_start3A_990] : memref<8x50x32xf32, #tpu.memory_space<vmem>> -> memref<1x50x32xf32, #tpu.memory_space<vmem>>
      %dma_start3A_992 = tpu.memref_squeeze %dma_start3A_991 : memref<1x50x32xf32, #tpu.memory_space<vmem>> -> memref<50x32xf32, #tpu.memory_space<vmem>>
      %dma_start3A_993 = arith.constant 0 : i32
      %dma_start3A_994 = tpu.memref_slice %arg5[%add3A_987, %dma_start3A_993] : memref<512x50xi32, #tpu.memory_space<vmem>> -> memref<1x50xi32, #tpu.memory_space<vmem>>
      %dma_start3A_995 = tpu.memref_squeeze %dma_start3A_994 : memref<1x50xi32, #tpu.memory_space<vmem>> -> memref<50xi32, #tpu.memory_space<vmem>>
      %dma_start3A_996 = arith.constant 0 : i32
      %dma_start3A_997 = arith.constant 0 : i32
      %dma_start3A_998 = tpu.memref_slice %arg3[%dma_start3A_996, %dma_start3A_997] : memref<1000000x32xf32, #tpu.memory_space<hbm>> -> memref<1000000x32xf32, #tpu.memory_space<hbm>>
      tpu.enqueue_indirect_dma source(%dma_start3A_998 : memref<1000000x32xf32, #tpu.memory_space<hbm>>) target(%dma_start3A_992 : memref<50x32xf32, #tpu.memory_space<vmem>>) offsets(%dma_start3A_995 : memref<50xi32, #tpu.memory_space<vmem>>) semaphore(%arg13 : memref<!tpu.dma_semaphore, #tpu.memory_space<semaphore_mem>>)
      %mul3A_999 = arith.constant 8 : i32
      %mul3A_1000 = arith.muli %add3A_968, %mul3A_999 : i32
      %add3A_1001 = arith.constant 2 : i32
      %add3A_1002 = arith.addi %mul3A_1000, %add3A_1001 : i32
      %dma_start3A_1003 = arith.constant 2 : i32
      %dma_start3A_1004 = arith.constant 0 : i32
      %dma_start3A_1005 = arith.constant 0 : i32
      %dma_start3A_1006 = tpu.memref_slice %arg9[%dma_start3A_1003, %dma_start3A_1004, %dma_start3A_1005] : memref<8x50x32xf32, #tpu.memory_space<vmem>> -> memref<1x50x32xf32, #tpu.memory_space<vmem>>
      %dma_start3A_1007 = tpu.memref_squeeze %dma_start3A_1006 : memref<1x50x32xf32, #tpu.memory_space<vmem>> -> memref<50x32xf32, #tpu.memory_space<vmem>>
      %dma_start3A_1008 = arith.constant 0 : i32
      %dma_start3A_1009 = tpu.memref_slice %arg5[%add3A_1002, %dma_start3A_1008] : memref<512x50xi32, #tpu.memory_space<vmem>> -> memref<1x50xi32, #tpu.memory_space<vmem>>
      %dma_start3A_1010 = tpu.memref_squeeze %dma_start3A_1009 : memref<1x50xi32, #tpu.memory_space<vmem>> -> memref<50xi32, #tpu.memory_space<vmem>>
      %dma_start3A_1011 = arith.constant 0 : i32
      %dma_start3A_1012 = arith.constant 0 : i32
      %dma_start3A_1013 = tpu.memref_slice %arg3[%dma_start3A_1011, %dma_start3A_1012] : memref<1000000x32xf32, #tpu.memory_space<hbm>> -> memref<1000000x32xf32, #tpu.memory_space<hbm>>
      tpu.enqueue_indirect_dma source(%dma_start3A_1013 : memref<1000000x32xf32, #tpu.memory_space<hbm>>) target(%dma_start3A_1007 : memref<50x32xf32, #tpu.memory_space<vmem>>) offsets(%dma_start3A_1010 : memref<50xi32, #tpu.memory_space<vmem>>) semaphore(%arg13 : memref<!tpu.dma_semaphore, #tpu.memory_space<semaphore_mem>>)
      %mul3A_1014 = arith.constant 8 : i32
      %mul3A_1015 = arith.muli %add3A_968, %mul3A_1014 : i32
      %add3A_1016 = arith.constant 3 : i32
      %add3A_1017 = arith.addi %mul3A_1015, %add3A_1016 : i32
      %dma_start3A_1018 = arith.constant 3 : i32
      %dma_start3A_1019 = arith.constant 0 : i32
      %dma_start3A_1020 = arith.constant 0 : i32
      %dma_start3A_1021 = tpu.memref_slice %arg9[%dma_start3A_1018, %dma_start3A_1019, %dma_start3A_1020] : memref<8x50x32xf32, #tpu.memory_space<vmem>> -> memref<1x50x32xf32, #tpu.memory_space<vmem>>
      %dma_start3A_1022 = tpu.memref_squeeze %dma_start3A_1021 : memref<1x50x32xf32, #tpu.memory_space<vmem>> -> memref<50x32xf32, #tpu.memory_space<vmem>>
      %dma_start3A_1023 = arith.constant 0 : i32
      %dma_start3A_1024 = tpu.memref_slice %arg5[%add3A_1017, %dma_start3A_1023] : memref<512x50xi32, #tpu.memory_space<vmem>> -> memref<1x50xi32, #tpu.memory_space<vmem>>
      %dma_start3A_1025 = tpu.memref_squeeze %dma_start3A_1024 : memref<1x50xi32, #tpu.memory_space<vmem>> -> memref<50xi32, #tpu.memory_space<vmem>>
      %dma_start3A_1026 = arith.constant 0 : i32
      %dma_start3A_1027 = arith.constant 0 : i32
      %dma_start3A_1028 = tpu.memref_slice %arg3[%dma_start3A_1026, %dma_start3A_1027] : memref<1000000x32xf32, #tpu.memory_space<hbm>> -> memref<1000000x32xf32, #tpu.memory_space<hbm>>
      tpu.enqueue_indirect_dma source(%dma_start3A_1028 : memref<1000000x32xf32, #tpu.memory_space<hbm>>) target(%dma_start3A_1022 : memref<50x32xf32, #tpu.memory_space<vmem>>) offsets(%dma_start3A_1025 : memref<50xi32, #tpu.memory_space<vmem>>) semaphore(%arg13 : memref<!tpu.dma_semaphore, #tpu.memory_space<semaphore_mem>>)
      %mul3A_1029 = arith.constant 8 : i32
      %mul3A_1030 = arith.muli %add3A_968, %mul3A_1029 : i32
      %add3A_1031 = arith.constant 4 : i32
      %add3A_1032 = arith.addi %mul3A_1030, %add3A_1031 : i32
      %dma_start3A_1033 = arith.constant 4 : i32
      %dma_start3A_1034 = arith.constant 0 : i32
      %dma_start3A_1035 = arith.constant 0 : i32
      %dma_start3A_1036 = tpu.memref_slice %arg9[%dma_start3A_1033, %dma_start3A_1034, %dma_start3A_1035] : memref<8x50x32xf32, #tpu.memory_space<vmem>> -> memref<1x50x32xf32, #tpu.memory_space<vmem>>
      %dma_start3A_1037 = tpu.memref_squeeze %dma_start3A_1036 : memref<1x50x32xf32, #tpu.memory_space<vmem>> -> memref<50x32xf32, #tpu.memory_space<vmem>>
      %dma_start3A_1038 = arith.constant 0 : i32
      %dma_start3A_1039 = tpu.memref_slice %arg5[%add3A_1032, %dma_start3A_1038] : memref<512x50xi32, #tpu.memory_space<vmem>> -> memref<1x50xi32, #tpu.memory_space<vmem>>
      %dma_start3A_1040 = tpu.memref_squeeze %dma_start3A_1039 : memref<1x50xi32, #tpu.memory_space<vmem>> -> memref<50xi32, #tpu.memory_space<vmem>>
      %dma_start3A_1041 = arith.constant 0 : i32
      %dma_start3A_1042 = arith.constant 0 : i32
      %dma_start3A_1043 = tpu.memref_slice %arg3[%dma_start3A_1041, %dma_start3A_1042] : memref<1000000x32xf32, #tpu.memory_space<hbm>> -> memref<1000000x32xf32, #tpu.memory_space<hbm>>
      tpu.enqueue_indirect_dma source(%dma_start3A_1043 : memref<1000000x32xf32, #tpu.memory_space<hbm>>) target(%dma_start3A_1037 : memref<50x32xf32, #tpu.memory_space<vmem>>) offsets(%dma_start3A_1040 : memref<50xi32, #tpu.memory_space<vmem>>) semaphore(%arg13 : memref<!tpu.dma_semaphore, #tpu.memory_space<semaphore_mem>>)
      %mul3A_1044 = arith.constant 8 : i32
      %mul3A_1045 = arith.muli %add3A_968, %mul3A_1044 : i32
      %add3A_1046 = arith.constant 5 : i32
      %add3A_1047 = arith.addi %mul3A_1045, %add3A_1046 : i32
      %dma_start3A_1048 = arith.constant 5 : i32
      %dma_start3A_1049 = arith.constant 0 : i32
      %dma_start3A_1050 = arith.constant 0 : i32
      %dma_start3A_1051 = tpu.memref_slice %arg9[%dma_start3A_1048, %dma_start3A_1049, %dma_start3A_1050] : memref<8x50x32xf32, #tpu.memory_space<vmem>> -> memref<1x50x32xf32, #tpu.memory_space<vmem>>
      %dma_start3A_1052 = tpu.memref_squeeze %dma_start3A_1051 : memref<1x50x32xf32, #tpu.memory_space<vmem>> -> memref<50x32xf32, #tpu.memory_space<vmem>>
      %dma_start3A_1053 = arith.constant 0 : i32
      %dma_start3A_1054 = tpu.memref_slice %arg5[%add3A_1047, %dma_start3A_1053] : memref<512x50xi32, #tpu.memory_space<vmem>> -> memref<1x50xi32, #tpu.memory_space<vmem>>
      %dma_start3A_1055 = tpu.memref_squeeze %dma_start3A_1054 : memref<1x50xi32, #tpu.memory_space<vmem>> -> memref<50xi32, #tpu.memory_space<vmem>>
      %dma_start3A_1056 = arith.constant 0 : i32
      %dma_start3A_1057 = arith.constant 0 : i32
      %dma_start3A_1058 = tpu.memref_slice %arg3[%dma_start3A_1056, %dma_start3A_1057] : memref<1000000x32xf32, #tpu.memory_space<hbm>> -> memref<1000000x32xf32, #tpu.memory_space<hbm>>
      tpu.enqueue_indirect_dma source(%dma_start3A_1058 : memref<1000000x32xf32, #tpu.memory_space<hbm>>) target(%dma_start3A_1052 : memref<50x32xf32, #tpu.memory_space<vmem>>) offsets(%dma_start3A_1055 : memref<50xi32, #tpu.memory_space<vmem>>) semaphore(%arg13 : memref<!tpu.dma_semaphore, #tpu.memory_space<semaphore_mem>>)
      %mul3A_1059 = arith.constant 8 : i32
      %mul3A_1060 = arith.muli %add3A_968, %mul3A_1059 : i32
      %add3A_1061 = arith.constant 6 : i32
      %add3A_1062 = arith.addi %mul3A_1060, %add3A_1061 : i32
      %dma_start3A_1063 = arith.constant 6 : i32
      %dma_start3A_1064 = arith.constant 0 : i32
      %dma_start3A_1065 = arith.constant 0 : i32
      %dma_start3A_1066 = tpu.memref_slice %arg9[%dma_start3A_1063, %dma_start3A_1064, %dma_start3A_1065] : memref<8x50x32xf32, #tpu.memory_space<vmem>> -> memref<1x50x32xf32, #tpu.memory_space<vmem>>
      %dma_start3A_1067 = tpu.memref_squeeze %dma_start3A_1066 : memref<1x50x32xf32, #tpu.memory_space<vmem>> -> memref<50x32xf32, #tpu.memory_space<vmem>>
      %dma_start3A_1068 = arith.constant 0 : i32
      %dma_start3A_1069 = tpu.memref_slice %arg5[%add3A_1062, %dma_start3A_1068] : memref<512x50xi32, #tpu.memory_space<vmem>> -> memref<1x50xi32, #tpu.memory_space<vmem>>
      %dma_start3A_1070 = tpu.memref_squeeze %dma_start3A_1069 : memref<1x50xi32, #tpu.memory_space<vmem>> -> memref<50xi32, #tpu.memory_space<vmem>>
      %dma_start3A_1071 = arith.constant 0 : i32
      %dma_start3A_1072 = arith.constant 0 : i32
      %dma_start3A_1073 = tpu.memref_slice %arg3[%dma_start3A_1071, %dma_start3A_1072] : memref<1000000x32xf32, #tpu.memory_space<hbm>> -> memref<1000000x32xf32, #tpu.memory_space<hbm>>
      tpu.enqueue_indirect_dma source(%dma_start3A_1073 : memref<1000000x32xf32, #tpu.memory_space<hbm>>) target(%dma_start3A_1067 : memref<50x32xf32, #tpu.memory_space<vmem>>) offsets(%dma_start3A_1070 : memref<50xi32, #tpu.memory_space<vmem>>) semaphore(%arg13 : memref<!tpu.dma_semaphore, #tpu.memory_space<semaphore_mem>>)
      %mul3A_1074 = arith.constant 8 : i32
      %mul3A_1075 = arith.muli %add3A_968, %mul3A_1074 : i32
      %add3A_1076 = arith.constant 7 : i32
      %add3A_1077 = arith.addi %mul3A_1075, %add3A_1076 : i32
      %dma_start3A_1078 = arith.constant 7 : i32
      %dma_start3A_1079 = arith.constant 0 : i32
      %dma_start3A_1080 = arith.constant 0 : i32
      %dma_start3A_1081 = tpu.memref_slice %arg9[%dma_start3A_1078, %dma_start3A_1079, %dma_start3A_1080] : memref<8x50x32xf32, #tpu.memory_space<vmem>> -> memref<1x50x32xf32, #tpu.memory_space<vmem>>
      %dma_start3A_1082 = tpu.memref_squeeze %dma_start3A_1081 : memref<1x50x32xf32, #tpu.memory_space<vmem>> -> memref<50x32xf32, #tpu.memory_space<vmem>>
      %dma_start3A_1083 = arith.constant 0 : i32
      %dma_start3A_1084 = tpu.memref_slice %arg5[%add3A_1077, %dma_start3A_1083] : memref<512x50xi32, #tpu.memory_space<vmem>> -> memref<1x50xi32, #tpu.memory_space<vmem>>
      %dma_start3A_1085 = tpu.memref_squeeze %dma_start3A_1084 : memref<1x50xi32, #tpu.memory_space<vmem>> -> memref<50xi32, #tpu.memory_space<vmem>>
      %dma_start3A_1086 = arith.constant 0 : i32
      %dma_start3A_1087 = arith.constant 0 : i32
      %dma_start3A_1088 = tpu.memref_slice %arg3[%dma_start3A_1086, %dma_start3A_1087] : memref<1000000x32xf32, #tpu.memory_space<hbm>> -> memref<1000000x32xf32, #tpu.memory_space<hbm>>
      tpu.enqueue_indirect_dma source(%dma_start3A_1088 : memref<1000000x32xf32, #tpu.memory_space<hbm>>) target(%dma_start3A_1082 : memref<50x32xf32, #tpu.memory_space<vmem>>) offsets(%dma_start3A_1085 : memref<50xi32, #tpu.memory_space<vmem>>) semaphore(%arg13 : memref<!tpu.dma_semaphore, #tpu.memory_space<semaphore_mem>>)
    }
    %scan3A_390 = arith.constant 15 : i32
    %dma_wait3A = arith.constant 0 : i32
    %dma_wait3A_391 = arith.constant 0 : i32
    %dma_wait3A_392 = arith.constant 0 : i32
    %dma_wait3A_393 = tpu.memref_slice %arg4[%dma_wait3A, %dma_wait3A_391, %dma_wait3A_392] : memref<16384x50x32xf32, #tpu.memory_space<hbm>> -> memref<8x50x32xf32, #tpu.memory_space<hbm>>
    %dma_wait3A_394 = arith.constant 0 : i32
    %dma_wait3A_395 = arith.constant 0 : i32
    %dma_wait3A_396 = arith.constant 0 : i32
    %dma_wait3A_397 = tpu.memref_slice %arg4[%dma_wait3A_394, %dma_wait3A_395, %dma_wait3A_396] : memref<16384x50x32xf32, #tpu.memory_space<hbm>> -> memref<8x50x32xf32, #tpu.memory_space<hbm>>
    tpu.wait_dma2 semaphore(%arg10 : memref<!tpu.dma_semaphore, #tpu.memory_space<semaphore_mem>>) src(%dma_wait3A_397 : memref<8x50x32xf32, #tpu.memory_space<hbm>>) dst(%arg6 : memref<8x50x32xf32, #tpu.memory_space<vmem>>)
    %add3A_398 = arith.constant 480 : i32
    %add3A_399 = arith.addi %mul3A_2, %add3A_398 : i32
    %dma_start3A_400 = arith.constant 0 : i32
    %dma_start3A_401 = arith.constant 0 : i32
    %dma_start3A_402 = tpu.memref_slice %arg4[%add3A_399, %dma_start3A_400, %dma_start3A_401] : memref<16384x50x32xf32, #tpu.memory_space<hbm>> -> memref<8x50x32xf32, #tpu.memory_space<hbm>>
    %dma_start3A_403 = arith.constant 0 : i32
    %dma_start3A_404 = arith.constant 0 : i32
    %dma_start3A_405 = tpu.memref_slice %arg4[%add3A_399, %dma_start3A_403, %dma_start3A_404] : memref<16384x50x32xf32, #tpu.memory_space<hbm>> -> memref<8x50x32xf32, #tpu.memory_space<hbm>>
    tpu.enqueue_dma source(%arg6 : memref<8x50x32xf32, #tpu.memory_space<vmem>>) target(%dma_start3A_405 : memref<8x50x32xf32, #tpu.memory_space<hbm>>) target_semaphore(%arg14 : memref<!tpu.dma_semaphore, #tpu.memory_space<semaphore_mem>>)
    %add3A_406 = arith.constant 480 : i32
    %add3A_407 = arith.addi %mul3A_2, %add3A_406 : i32
    %dma_wait3A_408 = arith.constant 0 : i32
    %dma_wait3A_409 = arith.constant 0 : i32
    %dma_wait3A_410 = tpu.memref_slice %arg4[%add3A_407, %dma_wait3A_408, %dma_wait3A_409] : memref<16384x50x32xf32, #tpu.memory_space<hbm>> -> memref<8x50x32xf32, #tpu.memory_space<hbm>>
    %dma_wait3A_411 = arith.constant 0 : i32
    %dma_wait3A_412 = arith.constant 0 : i32
    %dma_wait3A_413 = tpu.memref_slice %arg4[%add3A_407, %dma_wait3A_411, %dma_wait3A_412] : memref<16384x50x32xf32, #tpu.memory_space<hbm>> -> memref<8x50x32xf32, #tpu.memory_space<hbm>>
    tpu.wait_dma2 semaphore(%arg14 : memref<!tpu.dma_semaphore, #tpu.memory_space<semaphore_mem>>) src(%arg6 : memref<8x50x32xf32, #tpu.memory_space<vmem>>) dst(%dma_wait3A_413 : memref<8x50x32xf32, #tpu.memory_space<hbm>>)
    %dma_wait3A_414 = arith.constant 0 : i32
    %dma_wait3A_415 = arith.constant 0 : i32
    %dma_wait3A_416 = arith.constant 0 : i32
    %dma_wait3A_417 = tpu.memref_slice %arg4[%dma_wait3A_414, %dma_wait3A_415, %dma_wait3A_416] : memref<16384x50x32xf32, #tpu.memory_space<hbm>> -> memref<8x50x32xf32, #tpu.memory_space<hbm>>
    %dma_wait3A_418 = arith.constant 0 : i32
    %dma_wait3A_419 = arith.constant 0 : i32
    %dma_wait3A_420 = arith.constant 0 : i32
    %dma_wait3A_421 = tpu.memref_slice %arg4[%dma_wait3A_418, %dma_wait3A_419, %dma_wait3A_420] : memref<16384x50x32xf32, #tpu.memory_space<hbm>> -> memref<8x50x32xf32, #tpu.memory_space<hbm>>
    tpu.wait_dma2 semaphore(%arg11 : memref<!tpu.dma_semaphore, #tpu.memory_space<semaphore_mem>>) src(%dma_wait3A_421 : memref<8x50x32xf32, #tpu.memory_space<hbm>>) dst(%arg7 : memref<8x50x32xf32, #tpu.memory_space<vmem>>)
    %add3A_422 = arith.constant 488 : i32
    %add3A_423 = arith.addi %mul3A_2, %add3A_422 : i32
    %dma_start3A_424 = arith.constant 0 : i32
    %dma_start3A_425 = arith.constant 0 : i32
    %dma_start3A_426 = tpu.memref_slice %arg4[%add3A_423, %dma_start3A_424, %dma_start3A_425] : memref<16384x50x32xf32, #tpu.memory_space<hbm>> -> memref<8x50x32xf32, #tpu.memory_space<hbm>>
    %dma_start3A_427 = arith.constant 0 : i32
    %dma_start3A_428 = arith.constant 0 : i32
    %dma_start3A_429 = tpu.memref_slice %arg4[%add3A_423, %dma_start3A_427, %dma_start3A_428] : memref<16384x50x32xf32, #tpu.memory_space<hbm>> -> memref<8x50x32xf32, #tpu.memory_space<hbm>>
    tpu.enqueue_dma source(%arg7 : memref<8x50x32xf32, #tpu.memory_space<vmem>>) target(%dma_start3A_429 : memref<8x50x32xf32, #tpu.memory_space<hbm>>) target_semaphore(%arg15 : memref<!tpu.dma_semaphore, #tpu.memory_space<semaphore_mem>>)
    %add3A_430 = arith.constant 488 : i32
    %add3A_431 = arith.addi %mul3A_2, %add3A_430 : i32
    %dma_wait3A_432 = arith.constant 0 : i32
    %dma_wait3A_433 = arith.constant 0 : i32
    %dma_wait3A_434 = tpu.memref_slice %arg4[%add3A_431, %dma_wait3A_432, %dma_wait3A_433] : memref<16384x50x32xf32, #tpu.memory_space<hbm>> -> memref<8x50x32xf32, #tpu.memory_space<hbm>>
    %dma_wait3A_435 = arith.constant 0 : i32
    %dma_wait3A_436 = arith.constant 0 : i32
    %dma_wait3A_437 = tpu.memref_slice %arg4[%add3A_431, %dma_wait3A_435, %dma_wait3A_436] : memref<16384x50x32xf32, #tpu.memory_space<hbm>> -> memref<8x50x32xf32, #tpu.memory_space<hbm>>
    tpu.wait_dma2 semaphore(%arg15 : memref<!tpu.dma_semaphore, #tpu.memory_space<semaphore_mem>>) src(%arg7 : memref<8x50x32xf32, #tpu.memory_space<vmem>>) dst(%dma_wait3A_437 : memref<8x50x32xf32, #tpu.memory_space<hbm>>)
    %dma_wait3A_438 = arith.constant 0 : i32
    %dma_wait3A_439 = arith.constant 0 : i32
    %dma_wait3A_440 = arith.constant 0 : i32
    %dma_wait3A_441 = tpu.memref_slice %arg4[%dma_wait3A_438, %dma_wait3A_439, %dma_wait3A_440] : memref<16384x50x32xf32, #tpu.memory_space<hbm>> -> memref<8x50x32xf32, #tpu.memory_space<hbm>>
    %dma_wait3A_442 = arith.constant 0 : i32
    %dma_wait3A_443 = arith.constant 0 : i32
    %dma_wait3A_444 = arith.constant 0 : i32
    %dma_wait3A_445 = tpu.memref_slice %arg4[%dma_wait3A_442, %dma_wait3A_443, %dma_wait3A_444] : memref<16384x50x32xf32, #tpu.memory_space<hbm>> -> memref<8x50x32xf32, #tpu.memory_space<hbm>>
    tpu.wait_dma2 semaphore(%arg12 : memref<!tpu.dma_semaphore, #tpu.memory_space<semaphore_mem>>) src(%dma_wait3A_445 : memref<8x50x32xf32, #tpu.memory_space<hbm>>) dst(%arg8 : memref<8x50x32xf32, #tpu.memory_space<vmem>>)
    %add3A_446 = arith.constant 496 : i32
    %add3A_447 = arith.addi %mul3A_2, %add3A_446 : i32
    %dma_start3A_448 = arith.constant 0 : i32
    %dma_start3A_449 = arith.constant 0 : i32
    %dma_start3A_450 = tpu.memref_slice %arg4[%add3A_447, %dma_start3A_448, %dma_start3A_449] : memref<16384x50x32xf32, #tpu.memory_space<hbm>> -> memref<8x50x32xf32, #tpu.memory_space<hbm>>
    %dma_start3A_451 = arith.constant 0 : i32
    %dma_start3A_452 = arith.constant 0 : i32
    %dma_start3A_453 = tpu.memref_slice %arg4[%add3A_447, %dma_start3A_451, %dma_start3A_452] : memref<16384x50x32xf32, #tpu.memory_space<hbm>> -> memref<8x50x32xf32, #tpu.memory_space<hbm>>
    tpu.enqueue_dma source(%arg8 : memref<8x50x32xf32, #tpu.memory_space<vmem>>) target(%dma_start3A_453 : memref<8x50x32xf32, #tpu.memory_space<hbm>>) target_semaphore(%arg16 : memref<!tpu.dma_semaphore, #tpu.memory_space<semaphore_mem>>)
    %add3A_454 = arith.constant 496 : i32
    %add3A_455 = arith.addi %mul3A_2, %add3A_454 : i32
    %dma_wait3A_456 = arith.constant 0 : i32
    %dma_wait3A_457 = arith.constant 0 : i32
    %dma_wait3A_458 = tpu.memref_slice %arg4[%add3A_455, %dma_wait3A_456, %dma_wait3A_457] : memref<16384x50x32xf32, #tpu.memory_space<hbm>> -> memref<8x50x32xf32, #tpu.memory_space<hbm>>
    %dma_wait3A_459 = arith.constant 0 : i32
    %dma_wait3A_460 = arith.constant 0 : i32
    %dma_wait3A_461 = tpu.memref_slice %arg4[%add3A_455, %dma_wait3A_459, %dma_wait3A_460] : memref<16384x50x32xf32, #tpu.memory_space<hbm>> -> memref<8x50x32xf32, #tpu.memory_space<hbm>>
    tpu.wait_dma2 semaphore(%arg16 : memref<!tpu.dma_semaphore, #tpu.memory_space<semaphore_mem>>) src(%arg8 : memref<8x50x32xf32, #tpu.memory_space<vmem>>) dst(%dma_wait3A_461 : memref<8x50x32xf32, #tpu.memory_space<hbm>>)
    %dma_wait3A_462 = arith.constant 0 : i32
    %dma_wait3A_463 = arith.constant 0 : i32
    %dma_wait3A_464 = arith.constant 0 : i32
    %dma_wait3A_465 = tpu.memref_slice %arg4[%dma_wait3A_462, %dma_wait3A_463, %dma_wait3A_464] : memref<16384x50x32xf32, #tpu.memory_space<hbm>> -> memref<8x50x32xf32, #tpu.memory_space<hbm>>
    %dma_wait3A_466 = arith.constant 0 : i32
    %dma_wait3A_467 = arith.constant 0 : i32
    %dma_wait3A_468 = arith.constant 0 : i32
    %dma_wait3A_469 = tpu.memref_slice %arg4[%dma_wait3A_466, %dma_wait3A_467, %dma_wait3A_468] : memref<16384x50x32xf32, #tpu.memory_space<hbm>> -> memref<8x50x32xf32, #tpu.memory_space<hbm>>
    tpu.wait_dma2 semaphore(%arg13 : memref<!tpu.dma_semaphore, #tpu.memory_space<semaphore_mem>>) src(%dma_wait3A_469 : memref<8x50x32xf32, #tpu.memory_space<hbm>>) dst(%arg9 : memref<8x50x32xf32, #tpu.memory_space<vmem>>)
    %add3A_470 = arith.constant 504 : i32
    %add3A_471 = arith.addi %mul3A_2, %add3A_470 : i32
    %dma_start3A_472 = arith.constant 0 : i32
    %dma_start3A_473 = arith.constant 0 : i32
    %dma_start3A_474 = tpu.memref_slice %arg4[%add3A_471, %dma_start3A_472, %dma_start3A_473] : memref<16384x50x32xf32, #tpu.memory_space<hbm>> -> memref<8x50x32xf32, #tpu.memory_space<hbm>>
    %dma_start3A_475 = arith.constant 0 : i32
    %dma_start3A_476 = arith.constant 0 : i32
    %dma_start3A_477 = tpu.memref_slice %arg4[%add3A_471, %dma_start3A_475, %dma_start3A_476] : memref<16384x50x32xf32, #tpu.memory_space<hbm>> -> memref<8x50x32xf32, #tpu.memory_space<hbm>>
    tpu.enqueue_dma source(%arg9 : memref<8x50x32xf32, #tpu.memory_space<vmem>>) target(%dma_start3A_477 : memref<8x50x32xf32, #tpu.memory_space<hbm>>) target_semaphore(%arg17 : memref<!tpu.dma_semaphore, #tpu.memory_space<semaphore_mem>>)
    %add3A_478 = arith.constant 504 : i32
    %add3A_479 = arith.addi %mul3A_2, %add3A_478 : i32
    %dma_wait3A_480 = arith.constant 0 : i32
    %dma_wait3A_481 = arith.constant 0 : i32
    %dma_wait3A_482 = tpu.memref_slice %arg4[%add3A_479, %dma_wait3A_480, %dma_wait3A_481] : memref<16384x50x32xf32, #tpu.memory_space<hbm>> -> memref<8x50x32xf32, #tpu.memory_space<hbm>>
    %dma_wait3A_483 = arith.constant 0 : i32
    %dma_wait3A_484 = arith.constant 0 : i32
    %dma_wait3A_485 = tpu.memref_slice %arg4[%add3A_479, %dma_wait3A_483, %dma_wait3A_484] : memref<16384x50x32xf32, #tpu.memory_space<hbm>> -> memref<8x50x32xf32, #tpu.memory_space<hbm>>
    tpu.wait_dma2 semaphore(%arg17 : memref<!tpu.dma_semaphore, #tpu.memory_space<semaphore_mem>>) src(%arg9 : memref<8x50x32xf32, #tpu.memory_space<vmem>>) dst(%dma_wait3A_485 : memref<8x50x32xf32, #tpu.memory_space<hbm>>)
    return
  }
}

</mosaic_0001>

<sc_bundles>
// kernel: kernel.3.cloned.1.call-start
scs
__scs_entry_jumppad:
0x0: {  	(pc) =	sbr.rel $0x88, $3  }
0x1: {  	(tag) =	ssettag $0x0;
	lr =	simm.s32 $0x1  }
0x2: {  	[smem:$0x3F9F] =	sst lr;
	_ =	strace $0xD0000000  }
0x3: {  	_ = 	snop  }
0x4: {  	_ = 	snop  }
0x5: {  	_ = 	snop  }
0x6: {  	_ = 	snop  }
0x7: {  	_ = 	snop  }
__scs_overlays_trampoline_lowered:
0x8: {  	[smem:$0x3FAE] =	sst s0  }
0x9: {  	[smem:$0x3FAF] =	sst s1  }
0xa: {  	[smem:$0x3FB0] =	sst s2  }
0xb: {  	[smem:$0x3FB1] =	sst s3  }
0xc: {  	[smem:$0x3FB2] =	sst s4  }
0xd: {  	[smem:$0x3FB3] =	sst s5  }
0xe: {  	[smem:$0x3FB4] =	sst s6  }
0xf: {  	[smem:$0x3FB5] =	sst s7  }
0x10: {  	[smem:$0x3FB6] =	sst s8  }
0x11: {  	[smem:$0x3FB7] =	sst s9;
	s0 =	simm.s32 @!p0 $0x0  }
0x12: {  	s1 =	sld [smem:$0x3F9D];
	s0 =	simm.s32 @p0 $0x1  }
0x13: {  	[smem:$0x3FB8] =	sst s0;
	s0 =	simm.s32 @!p1 $0x0  }
0x14: {  	s2 =	sld [smem:$0x3F9C];
	s0 =	simm.s32 @p1 $0x1  }
0x15: {  	[smem:$0x3FB9] =	sst s0;
	s0 =	simm.s32 @!p2 $0x0  }
0x16: {  	s3 =	sld [smem:$0x3FDB];
	s0 =	simm.s32 @p2 $0x1  }
0x17: {  	s4 =	simm.s32 $0x1BF5;
	[smem:$0x3FBB] =	sst s0  }
0x18: {  	s0 =	sld [smem:$0x3F9E];
	_ =	swait.ge [sflag:s4], $0x0  }
0x19: {  	s7 =	sld [smem:$0x3F9F]  }
0x1a: {  	s8 =	sadd.s32 $0xFFFFE003, lr  }
0x1b: {  	s9 =	sadd.s32 $0xFFFFFEF7, lr;
	s5 =	simm.s32 $0xFFFFFFFF;
	p2 =	slt.u32 s8, $0xFFFFF086  }
0x1c: {  	p1 =	slt.u32 s9, $0xF7A;
	s5 =	simm.s32 @!p2 $0x0  }
0x1d: {  	s5 =	simm.s32 @p1 $0x1;
	p0 =	seq.s32 s7, s2  }
0x1e: {  	s7 =	smul.u32 @!p0 $0xF7A, s2;
	p2 =	seq.s32 @!p0 s5, $0x0  }
0x1f: {  	s9 =	smul.u32 $0xF7A, s1;
	s8 =	simm.s32 @!p0 $0x1BF5;
	p2 =	por !p2, p0  }
0x20: {  	[sflag:s8] =	ssyncset.s32 @!p0 $0xFFFFF086;
	s6 =	sadd.s32 @!p0 s3, s7;
	s7 =	simm.s32 @!p0 $0x108  }
0x21: {  	s3 =	sadd.s32 s3, s9;
	s6 =	sadd.s32 @!p0 $0x88, s6;
	s7 =	simm.s32 @p2 $0x1082  }
0x22: {  	[simem:s7], [sflag:s8] =	dma.local @!p0 [hbm:s6], $0xF7A  }
0x23: {  	s9 =	sor.u32 $0xD0000000, s2;
	s6 =	simm.s32 $0x108;
	_ =	swait.ge @!p0 [sflag:s8], $0x0  }
0x24: {  	s3 =	sadd.s32 $0x88, s3;
	s6 =	simm.s32 @!p1 $0x1082;
	[sflag:s4] =	ssyncset.s32 $0xFFFFF086  }
0x25: {  	[simem:s6], [sflag:s4] =	dma.local [hbm:s3], $0xF7A  }
0x26: {  	[smem:$0x3F9F] =	sst s1;
	(tag) =	ssettag s2;
	_ =	strace s9  }
0x27: {  	s1 =	sld [smem:$0x3FAF]  }
0x28: {  	s2 =	sld [smem:$0x3FB0]  }
0x29: {  	s4 =	sld [smem:$0x3FB2]  }
0x2a: {  	p0 =	seq.s32 s5, $0x0;
	s5 =	sld [smem:$0x3FB3]  }
0x2b: {  	s6 =	sld [smem:$0x3FB4]  }
0x2c: {  	s7 =	sld [smem:$0x3FB5]  }
0x2d: {  	s3 =	simm.s32 $0x108;
	s8 =	sld [smem:$0x3FB6]  }
0x2e: {  	s3 =	simm.s32 @!p0 $0x1082;
	s9 =	sld [smem:$0x3FB7]  }
0x2f: {  	lr =	sadd.s32 s0, s3;
	s0 =	sld [smem:$0x3FAE]  }
0x30: {  	s3 =	sld [smem:$0x3FB1]  }
0x31: {  	[smem:$0x3FBA] =	sst s10  }
0x32: {  	s10 =	sld [smem:$0x3FB8];
	_ =	sdelay $0x3  }
0x33: {  	p0 =	seq.s32 s10, $0x1;
	s10 =	sld [smem:$0x3FBA];
	_ =	sdelay $0x3  }
0x34: {  	[smem:$0x3FBA] =	sst s10  }
0x35: {  	s10 =	sld [smem:$0x3FB9];
	_ =	sdelay $0x3  }
0x36: {  	p1 =	seq.s32 s10, $0x1;
	s10 =	sld [smem:$0x3FBA];
	_ =	sdelay $0x3  }
0x37: {  	[smem:$0x3FBA] =	sst s10  }
0x38: {  	s10 =	sld [smem:$0x3FBB]  }
0x39: {  	_ = 	snop;
	(pc) =	sbr.ind lr, $3  }
0x3a: {  	_ = 	snop  }
0x3b: {  	_ = 	snop  }
0x3c: {  	p2 =	seq.s32 s10, $0x1;
	s10 =	sld [smem:$0x3FBA]  }
0x3d: {  	_ =	shalt  }
0x3e: {  	_ =	shalt  }
0x3f: {  	_ =	shalt  }
0x40: {  	_ =	shalt  }
0x41: {  	_ =	shalt  }
0x42: {  	_ =	shalt  }
0x43: {  	_ =	shalt  }
0x44: {  	_ =	shalt  }
0x45: {  	_ =	shalt  }
0x46: {  	_ =	shalt  }
0x47: {  	_ =	shalt  }
0x48: {  	_ =	shalt  }
0x49: {  	_ =	shalt  }
0x4a: {  	_ =	shalt  }
0x4b: {  	_ =	shalt  }
0x4c: {  	_ =	shalt  }
0x4d: {  	_ =	shalt  }
0x4e: {  	_ =	shalt  }
0x4f: {  	_ =	shalt  }
0x50: {  	_ =	shalt  }
0x51: {  	_ =	shalt  }
0x52: {  	_ =	shalt  }
0x53: {  	_ =	shalt  }
0x54: {  	_ =	shalt  }
0x55: {  	_ =	shalt  }
0x56: {  	_ =	shalt  }
0x57: {  	_ =	shalt  }
0x58: {  	_ =	shalt  }
0x59: {  	_ =	shalt  }
0x5a: {  	_ =	shalt  }
0x5b: {  	_ =	shalt  }
0x5c: {  	_ =	shalt  }
0x5d: {  	_ =	shalt  }
0x5e: {  	_ =	shalt  }
0x5f: {  	_ =	shalt  }
0x60: {  	_ =	shalt  }
0x61: {  	_ =	shalt  }
0x62: {  	_ =	shalt  }
0x63: {  	_ =	shalt  }
0x64: {  	_ =	shalt  }
0x65: {  	_ =	shalt  }
0x66: {  	_ =	shalt  }
0x67: {  	_ =	shalt  }
0x68: {  	_ =	shalt  }
0x69: {  	_ =	shalt  }
0x6a: {  	_ =	shalt  }
0x6b: {  	_ =	shalt  }
0x6c: {  	_ =	shalt  }
0x6d: {  	_ =	shalt  }
0x6e: {  	_ =	shalt  }
0x6f: {  	_ =	shalt  }
0x70: {  	_ =	shalt  }
0x71: {  	_ =	shalt  }
0x72: {  	_ =	shalt  }
0x73: {  	_ =	shalt  }
0x74: {  	_ =	shalt  }
0x75: {  	_ =	shalt  }
0x76: {  	_ =	shalt  }
0x77: {  	_ =	shalt  }
0x78: {  	_ =	shalt  }
0x79: {  	_ =	shalt  }
0x7a: {  	_ =	shalt  }
0x7b: {  	_ =	shalt  }
0x7c: {  	_ =	shalt  }
0x7d: {  	_ =	shalt  }
0x7e: {  	_ =	shalt  }
0x7f: {  	_ =	shalt  }
0x80: {  	_ =	shalt  }
0x81: {  	_ =	shalt  }
0x82: {  	_ =	shalt  }
0x83: {  	_ =	shalt  }
0x84: {  	_ =	shalt  }
0x85: {  	_ =	shalt  }
0x86: {  	_ =	shalt  }
0x87: {  	_ =	shalt  }
.Lfunc_end0:
.L_simem_size_0:
called_computation.1_lowered:
.L_overlay_start_0:
0x88: {  	s2 =	sld [smem:$0x3FD9]  }
0x89: {  	s3 =	sld [smem:$0x3FFE];
	_ =	sdelay $0x1  }
0x8a: {  	s1 =	srdreg.scid  }
0x8b: {  	s0 =	sand.u32 $0x1, s1  }
0x8c: {  	s17 =	sshll.u32 s0, $0xA;
	s2 =	sadd.s32 s3, s2  }
0x8d: {  	s2 =	sadd.s32 s2, s17  }
0x8e: {  	[smem:$0x3FC6] =	sst s2  }
0x8f: {  	_ = 	snop  }
0x90: {  	s2 =	sld [smem:$0x3FD0];
	(tm) =	ssettm $0x1  }
0x91: {  	s18 =	sld [smem:$0x3FFB];
	_ =	sdelay $0x3  }
0x92: {  	_ =	strace s18  }
0x93: {  	s3 =	sld [smem:$0x3FFC];
	_ =	sdelay $0x3  }
0x94: {  	_ =	strace s3  }
0x95: {  	s3 =	sld [smem:$0x3FFD];
	_ =	sdelay $0x3  }
0x96: {  	_ =	strace s3  }
0x97: {  	_ =	strace $0x8FFFFFFF  }
0x98: {  	s19 =	sld [smem:$0x3FDB];
	_ =	sdelay $0x1  }
0x99: {  	s4 =	simm.s32 $_scs_section_size  }
0x9a: {  	s5 =	simm.s32 $_size__tile_overlayer_lowered;
	s6 =	simm.s32 $_tile_overlayer_lowered  }
0x9b: {  	s22 =	simm.s32 $0x1BFF;
	s21 =	sshll.u32 s6, $0x1;
	s3 =	sadd.s32 s4, s19  }
0x9c: {  	s7 =	simm.s32 $0x0;
	s20 =	sshll.u32 s5, $0x1;
	s5 =	sadd.s32 s21, s3  }
0x9d: {  	[timem:s7], [sflag:s22] =	dma.local [hbm:s5], s20  }
0x9e: {  	_ =	swait.ge [sflag:s22], s20  }
0x9f: {  	s4 =	ssub.s32 $0x0, s20;
	[sflag:s22] =	ssyncset.done $0x0  }
0xa0: {  	[sflag:s22] =	ssyncadd.s32 s4;
	_ =	sdelay $0x1  }
0xa1: {  	s23 =	simm.s32 $0x1B8B  }
0xa2: {  	_ =	swait.ge [sflag:s23], $0x1  }
0xa3: {  	[sflag:s23] =	ssyncset.done $0x0  }
0xa4: {  	s25 =	simm.s32 $0x1B8E;
	s24 =	sld [smem:$0x3FFE];
	[sflag:s23] =	ssyncadd.s32 $0xFFFFFFFF  }
0xa5: {  	s26 =	simm.s32 $execute0_lowered;
	[smem:$0x3FD2] =	sst s25  }
0xa6: {  	s5 =	sshll.u32 s26, $0x1;
	_ =	strace $0x80000046;
	[dreg:$0x1] =	wrdreg $0xFFFFFFFF  }
0xa7: {  	s28 =	simm.s32 $_size_execute0_lowered;
	s3 =	sadd.s32 s3, s5;
	[dreg:$0x0] =	wrdreg $0x0  }
0xa8: {  	s5 =	sshll.u32 s28, $0x1;
	[dreg:$0x2] =	wrdreg s3  }
0xa9: {  	[dreg:$0x3] =	wrdreg s5  }
0xaa: {  	[dreg:$0x4] =	wrdreg $0xC0  }
0xab: {  	_ =	task [dreg:s7], $0x5FFFF  }
0xac: {  	[dreg:$0x1] =	wrdreg $0xFFFFFFFF  }
0xad: {  	[dreg:$0x0] =	wrdreg $0x60  }
0xae: {  	[dreg:$0x2] =	wrdreg s24  }
0xaf: {  	[dreg:$0x3] =	wrdreg s2  }
0xb0: {  	[dreg:$0x4] =	wrdreg $0x9  }
0xb1: {  	_ =	task.clear_ibuf [dreg:s7], $0x5FFFF;
	_ =	strace $0x90000046  }
0xb2: {  	s29 =	simm.s32 $0x9;
	_ =	strace $0x80000048  }
0xb3: {  	_ =	swait.ge [sflag:s29], $0x1  }
0xb4: {  	[sflag:s29] =	ssyncadd.s32 $0xFFFFFFFF  }
0xb5: {  	_ =	strace $0x90000048  }
0xb6: {  	_ =	sfence  }
0xb7: {  	s30 =	sld [smem:$0x0];
	_ =	sdelay $0x2  }
0xb8: {  	s31 =	sshll.u32 s1, $0xD;
	s1 =	sshrl.u32 s1, $0x2  }
0xb9: {  	s3 =	sand.u32 $0x4000, s31;
	s1 =	sadd.s32 s1, s30  }
0xba: {  	s0 =	sor.u32 s3, s0;
	s1 =	sshll.u32 s1, $0x11  }
0xbb: {  	s0 =	sor.u32 s1, s0  }
0xbc: {  	s0 =	sadd.s32 $0x8F2B, s0  }
0xbd: {  	[sflag:s0] =	ssyncadd.remote.s32 $0x1  }
0xbe: {  	_ =	sfence.sel $0xFFFF  }
0xbf: {  	[dreg:$0x0] =	wrdreg $0xFFFFFFFF;
	(pc) =	sbr.abs _section_cstart, $3  }
0xc0: {  	[dreg:$0x1] =	wrdreg $0xFFFFFFFF  }
0xc1: {  	_ =	task.clear_ibuf [dreg:s7], $0x2FFFF;
	_ =	strace $0x9FFFFFFF  }
0xc2: {  	(tm) =	ssettm $0x7FFFFFFF  }
0xc3: {  	_ =	shalt  }
tec
execute0_lowered:
.L_overlay_start_1:
0x0: {  	(tag) =	ssettag $0x1  }
0x1: {  	s0 =	srdreg.scid;
	s1 =	rddreg [dreg:$0x0]  }
0x2: {  	s9 =	stileid.u32;
	s4 =	rddreg [dreg:$0x1]  }
0x3: {  	s12 =	simm.s32 $0x32;
	s20 =	simm.s32 $0x7640;
	s11 =	simm.s32 $0x9BC0  }
0x4: {  	s10 =	simm.s32 $0xA840;
	s15 =	simm.s32 $0xAE80;
	s17 =	simm.s32 $0xB4C0  }
0x5: {  	s19 =	simm.s32 $0xBB00;
	s13 =	simm.s32 $0xC780;
	s31 =	simm.s32 $0xCDC0  }
0x6: {  	s16 =	simm.s32 $0xDA40;
	s28 =	simm.s32 $0x2;
	s14 =	simm.s32 $0x3  }
0x7: {  	s18 =	simm.s32 $0x7;
	s29 =	simm.s32 $0x0;
	s0 =	sand.u32 $0x1, s0  }
0x8: {  	s2 =	sshll.u32 s9, $0xA;
	s24 =	smul.u32 $0x32000, s9;
	s9 =	simm.s32 $0x9580  }
0x9: {  	s3 =	sshll.u32 s0, $0x9;
	s6 =	ssub.s32 $0x2, s0;
	s0 =	smul.u32 $0x19000, s0  }
0xa: {  	s3 =	sor.u32 s3, s2;
	s2 =	simm.s32 $0x0;
	s7 =	sshrl.u32 s6, $0x1  }
0xb: {  	s30 =	sadd.s32 s24, s4;
	s24 =	simm.s32 $0xD400;
	s5 =	smul.u32 $0x7, s3  }
0xc: {  	[smem:$0x7FF] =	sst s2;
	s3 =	smul.u32 $0x640, s3;
	s21 =	ssub.s32 s6, s7  }
0xd: {  	s0 =	sadd.s32 s0, s30;
	s7 =	simm.s32 $0x8F40;
	_ =	strace $0x80000047  }
0xe: {  	[dreg:$0x9] =	wrdreg s0;
	s5 =	sadd.s32 s5, s1;
	s8 =	sshrl.u32 s3, $0x3  }
0xf: {  	s3 =	sadd.s32 $0xF42E00, s1;
	s1 =	smax.u32 s21, $0x1;
	s21 =	simm.s32 $0xC140  }
0x10: {  	s22 =	sadd.s32 s4, s8;
	s5 =	sadd.s32 $0xA00, s5;
	[dreg:$0x8] =	wrdreg s1  }
0x11: {  	s4 =	simm.s32 $0x7C80;
	[dreg:$0x3] =	wrdreg s5;
	s23 =	sadd.s32 $0x17700, s22  }
0x12: {  	s8 =	simm.s32 $0x10600;
	s25 =	sadd.s32 $0x17D40, s22;
	[dreg:$0x4] =	wrdreg s23  }
0x13: {  	s1 =	simm.s32 $0x6;
	s26 =	sadd.s32 $0x18380, s22;
	[dreg:$0x5] =	wrdreg s25  }
0x14: {  	s6 =	sadd.s32 $0x189C0, s22;
	s5 =	simm.s32 $0x82C0;
	[dreg:$0x6] =	wrdreg s26  }
0x15: {  	s22 =	simm.s32 $0x4;
	[dreg:$0x7] =	wrdreg s6;
	s6 =	simm.s32 $0x8900  }
0x16: {  	s23 =	simm.s32 $0x1;
	s25 =	simm.s32 $0x5;
	s26 =	simm.s32 $0x8  }
.LBB2_1:
0x17: {  	[dreg:$0xa] =	wrdreg s29  }
0x18: {  	s0 =	rddreg [dreg:$0x3];
	s29 =	simm.s32 $0x9  }
0x19: {  	[tilespmem:s2], [sflag:$0x9] =	stream.linear.gather [hbm4b:s0+s2], $0x7000, $0x38;
	[tilespmem:$0x13800] =	vst v63  }
0x1a: {  	_ =	swait.ge [sflag:s29], $0x7000  }
0x1b: {  	[sflag:s29] =	ssyncset.done $0x0  }
0x1c: {  	[sflag:s29] =	ssyncadd.s32 $0xFFFF9000;
	s29 =	simm.s32 $0x7000  }
0x1d: {  	[tilespmem:s29], [sflag:$0x1] =	stream.indirect.gather [hbm4b:s3+s12], $0x20, s2, s12, $0xb8;
	[tilespmem:$0x13800] =	vst v63  }
0x1e: {  	s30 =	simm.s32 $0x38  }
0x1f: {  	[tilespmem:s20], [sflag:$0x1] =	stream.indirect.gather [hbm4b:s3+s12], $0x20, s30, s12, $0xb8;
	[tilespmem:$0x13800] =	vst v63  }
0x20: {  	s30 =	simm.s32 $0x70  }
0x21: {  	[tilespmem:s4], [sflag:$0x1] =	stream.indirect.gather [hbm4b:s3+s12], $0x20, s30, s12, $0xb8;
	[tilespmem:$0x13800] =	vst v63  }
0x22: {  	s30 =	simm.s32 $0xA8  }
0x23: {  	[tilespmem:s5], [sflag:$0x1] =	stream.indirect.gather [hbm4b:s3+s12], $0x20, s30, s12, $0xb8;
	[tilespmem:$0x13800] =	vst v63  }
0x24: {  	s30 =	simm.s32 $0xE0  }
0x25: {  	[tilespmem:s6], [sflag:$0x1] =	stream.indirect.gather [hbm4b:s3+s12], $0x20, s30, s12, $0xb8;
	[tilespmem:$0x13800] =	vst v63  }
0x26: {  	s30 =	simm.s32 $0x118  }
0x27: {  	[tilespmem:s7], [sflag:$0x1] =	stream.indirect.gather [hbm4b:s3+s12], $0x20, s30, s12, $0xb8;
	[tilespmem:$0x13800] =	vst v63  }
0x28: {  	s30 =	simm.s32 $0x150  }
0x29: {  	[tilespmem:s9], [sflag:$0x1] =	stream.indirect.gather [hbm4b:s3+s12], $0x20, s30, s12, $0xb8;
	[tilespmem:$0x13800] =	vst v63  }
0x2a: {  	s30 =	simm.s32 $0x188  }
0x2b: {  	[tilespmem:s11], [sflag:$0x1] =	stream.indirect.gather [hbm4b:s3+s12], $0x20, s30, s12, $0xb8;
	[tilespmem:$0x13800] =	vst v63  }
0x2c: {  	s0 =	simm.s32 $0x1C0;
	s30 =	simm.s32 $0xA200  }
0x2d: {  	[tilespmem:s30], [sflag:$0x2] =	stream.indirect.gather [hbm4b:s3+s12], $0x20, s0, s12, $0xb8;
	[tilespmem:$0x13800] =	vst v63  }
0x2e: {  	s0 =	simm.s32 $0x1F8  }
0x2f: {  	[tilespmem:s10], [sflag:$0x2] =	stream.indirect.gather [hbm4b:s3+s12], $0x20, s0, s12, $0xb8;
	[tilespmem:$0x13800] =	vst v63  }
0x30: {  	s0 =	simm.s32 $0x230  }
0x31: {  	[tilespmem:s15], [sflag:$0x2] =	stream.indirect.gather [hbm4b:s3+s12], $0x20, s0, s12, $0xb8;
	[tilespmem:$0x13800] =	vst v63  }
0x32: {  	s0 =	simm.s32 $0x268  }
0x33: {  	[tilespmem:s17], [sflag:$0x2] =	stream.indirect.gather [hbm4b:s3+s12], $0x20, s0, s12, $0xb8;
	[tilespmem:$0x13800] =	vst v63  }
0x34: {  	s0 =	simm.s32 $0x2A0  }
0x35: {  	[tilespmem:s19], [sflag:$0x2] =	stream.indirect.gather [hbm4b:s3+s12], $0x20, s0, s12, $0xb8;
	[tilespmem:$0x13800] =	vst v63  }
0x36: {  	s0 =	simm.s32 $0x2D8  }
0x37: {  	[tilespmem:s21], [sflag:$0x2] =	stream.indirect.gather [hbm4b:s3+s12], $0x20, s0, s12, $0xb8;
	[tilespmem:$0x13800] =	vst v63  }
0x38: {  	s0 =	simm.s32 $0x310  }
0x39: {  	[tilespmem:s13], [sflag:$0x2] =	stream.indirect.gather [hbm4b:s3+s12], $0x20, s0, s12, $0xb8;
	[tilespmem:$0x13800] =	vst v63  }
0x3a: {  	s0 =	simm.s32 $0x348  }
0x3b: {  	[tilespmem:s31], [sflag:$0x2] =	stream.indirect.gather [hbm4b:s3+s12], $0x20, s0, s12, $0xb8;
	[tilespmem:$0x13800] =	vst v63  }
0x3c: {  	s0 =	simm.s32 $0x380  }
0x3d: {  	[tilespmem:s24], [sflag:$0x3] =	stream.indirect.gather [hbm4b:s3+s12], $0x20, s0, s12, $0xb8;
	[tilespmem:$0x13800] =	vst v63  }
0x3e: {  	s0 =	simm.s32 $0x3B8  }
0x3f: {  	[tilespmem:s16], [sflag:$0x3] =	stream.indirect.gather [hbm4b:s3+s12], $0x20, s0, s12, $0xb8;
	[tilespmem:$0x13800] =	vst v63  }
0x40: {  	s0 =	simm.s32 $0x3F0;
	s16 =	simm.s32 $0xE080  }
0x41: {  	[tilespmem:s16], [sflag:$0x3] =	stream.indirect.gather [hbm4b:s3+s12], $0x20, s0, s12, $0xb8;
	[tilespmem:$0x13800] =	vst v63  }
0x42: {  	s0 =	simm.s32 $0x428;
	s16 =	simm.s32 $0xE6C0  }
0x43: {  	[tilespmem:s16], [sflag:$0x3] =	stream.indirect.gather [hbm4b:s3+s12], $0x20, s0, s12, $0xb8;
	[tilespmem:$0x13800] =	vst v63  }
0x44: {  	s0 =	simm.s32 $0x460;
	s16 =	simm.s32 $0xED00  }
0x45: {  	[tilespmem:s16], [sflag:$0x3] =	stream.indirect.gather [hbm4b:s3+s12], $0x20, s0, s12, $0xb8;
	[tilespmem:$0x13800] =	vst v63  }
0x46: {  	s0 =	simm.s32 $0x498;
	s16 =	simm.s32 $0xF340  }
0x47: {  	[tilespmem:s16], [sflag:$0x3] =	stream.indirect.gather [hbm4b:s3+s12], $0x20, s0, s12, $0xb8;
	[tilespmem:$0x13800] =	vst v63  }
0x48: {  	s0 =	simm.s32 $0x4D0;
	s16 =	simm.s32 $0xF980  }
0x49: {  	[tilespmem:s16], [sflag:$0x3] =	stream.indirect.gather [hbm4b:s3+s12], $0x20, s0, s12, $0xb8;
	[tilespmem:$0x13800] =	vst v63  }
0x4a: {  	s0 =	simm.s32 $0x508;
	s16 =	simm.s32 $0xFFC0  }
0x4b: {  	[tilespmem:s16], [sflag:$0x3] =	stream.indirect.gather [hbm4b:s3+s12], $0x20, s0, s12, $0xb8;
	[tilespmem:$0x13800] =	vst v63  }
0x4c: {  	s16 =	simm.s32 $0x540  }
0x4d: {  	[tilespmem:s8], [sflag:$0x4] =	stream.indirect.gather [hbm4b:s3+s12], $0x20, s16, s12, $0xb8;
	[tilespmem:$0x13800] =	vst v63  }
0x4e: {  	s0 =	simm.s32 $0x578;
	s16 =	simm.s32 $0x10C40  }
0x4f: {  	[tilespmem:s16], [sflag:$0x4] =	stream.indirect.gather [hbm4b:s3+s12], $0x20, s0, s12, $0xb8;
	[tilespmem:$0x13800] =	vst v63  }
0x50: {  	s16 =	simm.s32 $0x11280;
	s0 =	simm.s32 $0x5B0  }
0x51: {  	[tilespmem:s16], [sflag:$0x4] =	stream.indirect.gather [hbm4b:s3+s12], $0x20, s0, s12, $0xb8;
	[tilespmem:$0x13800] =	vst v63  }
0x52: {  	s16 =	simm.s32 $0x118C0;
	s0 =	simm.s32 $0x5E8  }
0x53: {  	[tilespmem:s16], [sflag:$0x4] =	stream.indirect.gather [hbm4b:s3+s12], $0x20, s0, s12, $0xb8;
	[tilespmem:$0x13800] =	vst v63  }
0x54: {  	s16 =	simm.s32 $0x11F00;
	s0 =	simm.s32 $0x620  }
0x55: {  	[tilespmem:s16], [sflag:$0x4] =	stream.indirect.gather [hbm4b:s3+s12], $0x20, s0, s12, $0xb8;
	[tilespmem:$0x13800] =	vst v63  }
0x56: {  	s16 =	simm.s32 $0x12540;
	s0 =	simm.s32 $0x658  }
0x57: {  	[tilespmem:s16], [sflag:$0x4] =	stream.indirect.gather [hbm4b:s3+s12], $0x20, s0, s12, $0xb8;
	[tilespmem:$0x13800] =	vst v63  }
0x58: {  	s16 =	simm.s32 $0x12B80;
	s0 =	simm.s32 $0x690  }
0x59: {  	[tilespmem:s16], [sflag:$0x4] =	stream.indirect.gather [hbm4b:s3+s12], $0x20, s0, s12, $0xb8;
	[tilespmem:$0x13800] =	vst v63  }
0x5a: {  	s0 =	simm.s32 $0x131C0;
	s16 =	simm.s32 $0x6C8  }
0x5b: {  	[tilespmem:s0], [sflag:$0x4] =	stream.indirect.gather [hbm4b:s3+s12], $0x20, s16, s12, $0xb8;
	[tilespmem:$0x13800] =	vst v63  }
0x5c: {  	_ =	swait.ge [sflag:s23], $0x3200  }
0x5d: {  	[sflag:s23] =	ssyncset.done $0x0  }
0x5e: {  	s16 =	rddreg [dreg:$0x9];
	[sflag:s23] =	ssyncadd.s32 $0xFFFFCE00  }
0x5f: {  	[hbm4b:s16+s2] =	stream.linear.scatter [tilespmem:s29], [sflag:$0x5], $0x3200, $0x38;
	[tilespmem:$0x13800] =	vst v63  }
0x60: {  	_ =	swait.ge [sflag:s25], $0x3200  }
0x61: {  	[sflag:s25] =	ssyncset.done $0x0  }
0x62: {  	s0 =	simm.s32 $0x700;
	[sflag:s25] =	ssyncadd.s32 $0xFFFFCE00  }
0x63: {  	[tilespmem:s29], [sflag:$0x1] =	stream.indirect.gather [hbm4b:s3+s12], $0x20, s0, s12, $0xb8;
	[tilespmem:$0x13800] =	vst v63  }
0x64: {  	s29 =	simm.s32 $0x738  }
0x65: {  	[tilespmem:s20], [sflag:$0x1] =	stream.indirect.gather [hbm4b:s3+s12], $0x20, s29, s12, $0xb8;
	[tilespmem:$0x13800] =	vst v63  }
0x66: {  	s29 =	simm.s32 $0x770  }
0x67: {  	[tilespmem:s4], [sflag:$0x1] =	stream.indirect.gather [hbm4b:s3+s12], $0x20, s29, s12, $0xb8;
	[tilespmem:$0x13800] =	vst v63  }
0x68: {  	s4 =	simm.s32 $0x7A8  }
0x69: {  	[tilespmem:s5], [sflag:$0x1] =	stream.indirect.gather [hbm4b:s3+s12], $0x20, s4, s12, $0xb8;
	[tilespmem:$0x13800] =	vst v63  }
0x6a: {  	s20 =	simm.s32 $0x7E0  }
0x6b: {  	[tilespmem:s6], [sflag:$0x1] =	stream.indirect.gather [hbm4b:s3+s12], $0x20, s20, s12, $0xb8;
	[tilespmem:$0x13800] =	vst v63  }
0x6c: {  	s29 =	simm.s32 $0x818  }
0x6d: {  	[tilespmem:s7], [sflag:$0x1] =	stream.indirect.gather [hbm4b:s3+s12], $0x20, s29, s12, $0xb8;
	[tilespmem:$0x13800] =	vst v63  }
0x6e: {  	s4 =	simm.s32 $0x850  }
0x6f: {  	[tilespmem:s9], [sflag:$0x1] =	stream.indirect.gather [hbm4b:s3+s12], $0x20, s4, s12, $0xb8;
	[tilespmem:$0x13800] =	vst v63  }
0x70: {  	s5 =	simm.s32 $0x888  }
0x71: {  	[tilespmem:s11], [sflag:$0x1] =	stream.indirect.gather [hbm4b:s3+s12], $0x20, s5, s12, $0xb8;
	[tilespmem:$0x13800] =	vst v63  }
0x72: {  	_ =	swait.ge [sflag:s28], $0x3200  }
0x73: {  	[sflag:s28] =	ssyncset.done $0x0  }
0x74: {  	s6 =	sadd.s32 $0x640, s16;
	[sflag:s28] =	ssyncadd.s32 $0xFFFFCE00  }
0x75: {  	[hbm4b:s6+s2] =	stream.linear.scatter [tilespmem:s30], [sflag:$0x6], $0x3200, $0x38;
	[tilespmem:$0x13800] =	vst v63  }
0x76: {  	_ =	swait.ge [sflag:s1], $0x3200  }
0x77: {  	[sflag:s1] =	ssyncset.done $0x0  }
0x78: {  	s7 =	simm.s32 $0x8C0;
	[sflag:s1] =	ssyncadd.s32 $0xFFFFCE00  }
0x79: {  	[tilespmem:s30], [sflag:$0x2] =	stream.indirect.gather [hbm4b:s3+s12], $0x20, s7, s12, $0xb8;
	[tilespmem:$0x13800] =	vst v63  }
0x7a: {  	s9 =	simm.s32 $0x8F8  }
0x7b: {  	[tilespmem:s10], [sflag:$0x2] =	stream.indirect.gather [hbm4b:s3+s12], $0x20, s9, s12, $0xb8;
	[tilespmem:$0x13800] =	vst v63  }
0x7c: {  	s11 =	simm.s32 $0x930  }
0x7d: {  	[tilespmem:s15], [sflag:$0x2] =	stream.indirect.gather [hbm4b:s3+s12], $0x20, s11, s12, $0xb8;
	[tilespmem:$0x13800] =	vst v63  }
0x7e: {  	s15 =	simm.s32 $0x968  }
0x7f: {  	[tilespmem:s17], [sflag:$0x2] =	stream.indirect.gather [hbm4b:s3+s12], $0x20, s15, s12, $0xb8;
	[tilespmem:$0x13800] =	vst v63  }
0x80: {  	s17 =	simm.s32 $0x9A0  }
0x81: {  	[tilespmem:s19], [sflag:$0x2] =	stream.indirect.gather [hbm4b:s3+s12], $0x20, s17, s12, $0xb8;
	[tilespmem:$0x13800] =	vst v63  }
0x82: {  	s20 =	simm.s32 $0x9D8  }
0x83: {  	[tilespmem:s21], [sflag:$0x2] =	stream.indirect.gather [hbm4b:s3+s12], $0x20, s20, s12, $0xb8;
	[tilespmem:$0x13800] =	vst v63  }
0x84: {  	s21 =	simm.s32 $0xA10  }
0x85: {  	[tilespmem:s13], [sflag:$0x2] =	stream.indirect.gather [hbm4b:s3+s12], $0x20, s21, s12, $0xb8;
	[tilespmem:$0x13800] =	vst v63  }
0x86: {  	s29 =	simm.s32 $0xA48  }
0x87: {  	[tilespmem:s31], [sflag:$0x2] =	stream.indirect.gather [hbm4b:s3+s12], $0x20, s29, s12, $0xb8;
	[tilespmem:$0x13800] =	vst v63  }
0x88: {  	_ =	swait.ge [sflag:s14], $0x3200  }
0x89: {  	[sflag:s14] =	ssyncset.done $0x0  }
0x8a: {  	s30 =	sadd.s32 $0xC80, s16;
	[sflag:s14] =	ssyncadd.s32 $0xFFFFCE00  }
0x8b: {  	[hbm4b:s30+s2] =	stream.linear.scatter [tilespmem:s24], [sflag:$0x7], $0x3200, $0x38;
	[tilespmem:$0x13800] =	vst v63  }
0x8c: {  	_ =	swait.ge [sflag:s18], $0x3200  }
0x8d: {  	[sflag:s18] =	ssyncset.done $0x0  }
0x8e: {  	s4 =	simm.s32 $0xA80;
	[sflag:s18] =	ssyncadd.s32 $0xFFFFCE00  }
0x8f: {  	[tilespmem:s24], [sflag:$0x3] =	stream.indirect.gather [hbm4b:s3+s12], $0x20, s4, s12, $0xb8;
	[tilespmem:$0x13800] =	vst v63  }
0x90: {  	s5 =	simm.s32 $0xAB8;
	s6 =	simm.s32 $0xDA40  }
0x91: {  	[tilespmem:s6], [sflag:$0x3] =	stream.indirect.gather [hbm4b:s3+s12], $0x20, s5, s12, $0xb8;
	[tilespmem:$0x13800] =	vst v63  }
0x92: {  	s7 =	simm.s32 $0xAF0;
	s9 =	simm.s32 $0xE080  }
0x93: {  	[tilespmem:s9], [sflag:$0x3] =	stream.indirect.gather [hbm4b:s3+s12], $0x20, s7, s12, $0xb8;
	[tilespmem:$0x13800] =	vst v63  }
0x94: {  	s10 =	simm.s32 $0xB28;
	s11 =	simm.s32 $0xE6C0  }
0x95: {  	[tilespmem:s11], [sflag:$0x3] =	stream.indirect.gather [hbm4b:s3+s12], $0x20, s10, s12, $0xb8;
	[tilespmem:$0x13800] =	vst v63  }
0x96: {  	s15 =	simm.s32 $0xED00;
	s13 =	simm.s32 $0xB60  }
0x97: {  	[tilespmem:s15], [sflag:$0x3] =	stream.indirect.gather [hbm4b:s3+s12], $0x20, s13, s12, $0xb8;
	[tilespmem:$0x13800] =	vst v63  }
0x98: {  	s17 =	simm.s32 $0xB98;
	s19 =	simm.s32 $0xF340  }
0x99: {  	[tilespmem:s19], [sflag:$0x3] =	stream.indirect.gather [hbm4b:s3+s12], $0x20, s17, s12, $0xb8;
	[tilespmem:$0x13800] =	vst v63  }
0x9a: {  	s20 =	simm.s32 $0xBD0;
	s21 =	simm.s32 $0xF980  }
0x9b: {  	[tilespmem:s21], [sflag:$0x3] =	stream.indirect.gather [hbm4b:s3+s12], $0x20, s20, s12, $0xb8;
	[tilespmem:$0x13800] =	vst v63  }
0x9c: {  	s29 =	simm.s32 $0xC08;
	s30 =	simm.s32 $0xFFC0  }
0x9d: {  	[tilespmem:s30], [sflag:$0x3] =	stream.indirect.gather [hbm4b:s3+s12], $0x20, s29, s12, $0xb8;
	[tilespmem:$0x13800] =	vst v63  }
0x9e: {  	_ =	swait.ge [sflag:s22], $0x3200  }
0x9f: {  	s0 =	simm.s32 $0xDC8;
	s31 =	simm.s32 $0x1C00;
	[sflag:s22] =	ssyncset.done $0x0  }
0xa0: {  	s5 =	sadd.s32 $0x12C0, s16;
	s6 =	simm.s32 $0xC40;
	[sflag:s22] =	ssyncadd.s32 $0xFFFFCE00  }
0xa1: {  	[hbm4b:s5+s2] =	stream.linear.scatter [tilespmem:s8], [sflag:$0x8], $0x3200, $0x38;
	[tilespmem:$0x13800] =	vst v63  }
0xa2: {  	s16 =	sadd.s32 $0x1900, s16;
	s7 =	simm.s32 $0xC78;
	_ =	swait.ge [sflag:s26], $0x3200  }
0xa3: {  	s9 =	simm.s32 $0x10C40;
	s10 =	simm.s32 $0xCB0;
	[sflag:s26] =	ssyncset.done $0x0  }
0xa4: {  	s11 =	simm.s32 $0x11280;
	s13 =	simm.s32 $0xCE8;
	[sflag:s26] =	ssyncadd.s32 $0xFFFFCE00  }
0xa5: {  	[tilespmem:s8], [sflag:$0x4] =	stream.indirect.gather [hbm4b:s3+s12], $0x20, s6, s12, $0xb8;
	[tilespmem:$0x13800] =	vst v63  }
0xa6: {  	s15 =	simm.s32 $0x118C0;
	s17 =	simm.s32 $0xD20;
	s19 =	simm.s32 $0x11F00  }
0xa7: {  	[tilespmem:s9], [sflag:$0x4] =	stream.indirect.gather [hbm4b:s3+s12], $0x20, s7, s12, $0xb8;
	[tilespmem:$0x13800] =	vst v63  }
0xa8: {  	s20 =	simm.s32 $0xD58;
	s21 =	simm.s32 $0x12540;
	s29 =	simm.s32 $0xD90  }
0xa9: {  	[tilespmem:s11], [sflag:$0x4] =	stream.indirect.gather [hbm4b:s3+s12], $0x20, s10, s12, $0xb8;
	[tilespmem:$0x13800] =	vst v63  }
0xaa: {  	s30 =	simm.s32 $0x12B80;
	s5 =	simm.s32 $0x82C0;
	s6 =	simm.s32 $0x8900  }
0xab: {  	[tilespmem:s15], [sflag:$0x4] =	stream.indirect.gather [hbm4b:s3+s12], $0x20, s13, s12, $0xb8;
	[tilespmem:$0x13800] =	vst v63  }
0xac: {  	s7 =	simm.s32 $0x8F40;
	s9 =	simm.s32 $0x9580;
	s11 =	simm.s32 $0x9BC0  }
0xad: {  	[tilespmem:s19], [sflag:$0x4] =	stream.indirect.gather [hbm4b:s3+s12], $0x20, s17, s12, $0xb8;
	[tilespmem:$0x13800] =	vst v63  }
0xae: {  	s10 =	simm.s32 $0xA840;
	s15 =	simm.s32 $0xAE80;
	s13 =	simm.s32 $0xC780  }
0xaf: {  	[tilespmem:s21], [sflag:$0x4] =	stream.indirect.gather [hbm4b:s3+s12], $0x20, s20, s12, $0xb8;
	[tilespmem:$0x13800] =	vst v63  }
0xb0: {  	s17 =	simm.s32 $0xB4C0;
	s19 =	simm.s32 $0xBB00;
	s21 =	simm.s32 $0xC140  }
0xb1: {  	[tilespmem:s30], [sflag:$0x4] =	stream.indirect.gather [hbm4b:s3+s12], $0x20, s29, s12, $0xb8;
	[tilespmem:$0x13800] =	vst v63  }
.LBB2_2:
0xb2: {  	s4 =	simm.s32 $0x131C0  }
0xb3: {  	[tilespmem:s4], [sflag:$0x4] =	stream.indirect.gather [hbm4b:s3+s12], $0x20, s0, s12, $0xb8;
	[tilespmem:$0x13800] =	vst v63  }
0xb4: {  	s0 =	smov.u32 s31  }
0xb5: {  	p0 =	sne.s32 s31, $0x18800;
	s31 =	sadd.s32 $0x1C00, s31;
	_ =	swait.ge [sflag:s23], $0x3200  }
0xb6: {  	[sflag:s23] =	ssyncset.done $0x0  }
0xb7: {  	s20 =	simm.s32 $0x7000;
	[sflag:s23] =	ssyncadd.s32 $0xFFFFCE00  }
0xb8: {  	[hbm4b:s16+s2] =	stream.linear.scatter [tilespmem:s20], [sflag:$0x5], $0x3200, $0x38;
	[tilespmem:$0x13800] =	vst v63  }
0xb9: {  	_ =	swait.ge [sflag:s25], $0x3200  }
0xba: {  	s0 =	sshra.s32 s0, $0x2;
	[sflag:s25] =	ssyncset.done $0x0  }
0xbb: {  	s30 =	simm.s32 $0x7000;
	s29 =	sadd.s32 $0x700, s0;
	[sflag:s25] =	ssyncadd.s32 $0xFFFFCE00  }
0xbc: {  	[tilespmem:s20], [sflag:$0x1] =	stream.indirect.gather [hbm4b:s3+s12], $0x20, s29, s12, $0xb8;
	[tilespmem:$0x13800] =	vst v63  }
0xbd: {  	s4 =	simm.s32 $0x7640;
	s29 =	sadd.s32 $0x738, s0  }
0xbe: {  	[tilespmem:s4], [sflag:$0x1] =	stream.indirect.gather [hbm4b:s3+s12], $0x20, s29, s12, $0xb8;
	[tilespmem:$0x13800] =	vst v63  }
0xbf: {  	s29 =	sadd.s32 $0x770, s0;
	s4 =	simm.s32 $0x7C80  }
0xc0: {  	[tilespmem:s4], [sflag:$0x1] =	stream.indirect.gather [hbm4b:s3+s12], $0x20, s29, s12, $0xb8;
	[tilespmem:$0x13800] =	vst v63  }
0xc1: {  	s29 =	sadd.s32 $0x7A8, s0  }
0xc2: {  	[tilespmem:s5], [sflag:$0x1] =	stream.indirect.gather [hbm4b:s3+s12], $0x20, s29, s12, $0xb8;
	[tilespmem:$0x13800] =	vst v63  }
0xc3: {  	s29 =	sadd.s32 $0x7E0, s0  }
0xc4: {  	[tilespmem:s6], [sflag:$0x1] =	stream.indirect.gather [hbm4b:s3+s12], $0x20, s29, s12, $0xb8;
	[tilespmem:$0x13800] =	vst v63  }
0xc5: {  	s29 =	sadd.s32 $0x818, s0  }
0xc6: {  	[tilespmem:s7], [sflag:$0x1] =	stream.indirect.gather [hbm4b:s3+s12], $0x20, s29, s12, $0xb8;
	[tilespmem:$0x13800] =	vst v63  }
0xc7: {  	s29 =	sadd.s32 $0x850, s0  }
0xc8: {  	[tilespmem:s9], [sflag:$0x1] =	stream.indirect.gather [hbm4b:s3+s12], $0x20, s29, s12, $0xb8;
	[tilespmem:$0x13800] =	vst v63  }
0xc9: {  	s29 =	sadd.s32 $0x888, s0  }
0xca: {  	[tilespmem:s11], [sflag:$0x1] =	stream.indirect.gather [hbm4b:s3+s12], $0x20, s29, s12, $0xb8;
	[tilespmem:$0x13800] =	vst v63  }
0xcb: {  	_ =	swait.ge [sflag:s28], $0x3200  }
0xcc: {  	[sflag:s28] =	ssyncset.done $0x0  }
0xcd: {  	s4 =	simm.s32 $0xA200;
	s29 =	sadd.s32 $0x640, s16;
	[sflag:s28] =	ssyncadd.s32 $0xFFFFCE00  }
0xce: {  	[hbm4b:s29+s2] =	stream.linear.scatter [tilespmem:s4], [sflag:$0x6], $0x3200, $0x38;
	[tilespmem:$0x13800] =	vst v63  }
0xcf: {  	_ =	swait.ge [sflag:s1], $0x3200  }
0xd0: {  	[sflag:s1] =	ssyncset.done $0x0  }
0xd1: {  	s20 =	simm.s32 $0xA200;
	s29 =	sadd.s32 $0x8C0, s0;
	[sflag:s1] =	ssyncadd.s32 $0xFFFFCE00  }
0xd2: {  	[tilespmem:s4], [sflag:$0x2] =	stream.indirect.gather [hbm4b:s3+s12], $0x20, s29, s12, $0xb8;
	[tilespmem:$0x13800] =	vst v63  }
0xd3: {  	s29 =	sadd.s32 $0x8F8, s0  }
0xd4: {  	[tilespmem:s10], [sflag:$0x2] =	stream.indirect.gather [hbm4b:s3+s12], $0x20, s29, s12, $0xb8;
	[tilespmem:$0x13800] =	vst v63  }
0xd5: {  	s29 =	sadd.s32 $0x930, s0  }
0xd6: {  	[tilespmem:s15], [sflag:$0x2] =	stream.indirect.gather [hbm4b:s3+s12], $0x20, s29, s12, $0xb8;
	[tilespmem:$0x13800] =	vst v63  }
0xd7: {  	s29 =	sadd.s32 $0x968, s0  }
0xd8: {  	[tilespmem:s17], [sflag:$0x2] =	stream.indirect.gather [hbm4b:s3+s12], $0x20, s29, s12, $0xb8;
	[tilespmem:$0x13800] =	vst v63  }
0xd9: {  	s29 =	sadd.s32 $0x9A0, s0  }
0xda: {  	[tilespmem:s19], [sflag:$0x2] =	stream.indirect.gather [hbm4b:s3+s12], $0x20, s29, s12, $0xb8;
	[tilespmem:$0x13800] =	vst v63  }
0xdb: {  	s29 =	sadd.s32 $0x9D8, s0  }
0xdc: {  	[tilespmem:s21], [sflag:$0x2] =	stream.indirect.gather [hbm4b:s3+s12], $0x20, s29, s12, $0xb8;
	[tilespmem:$0x13800] =	vst v63  }
0xdd: {  	s29 =	sadd.s32 $0xA10, s0  }
0xde: {  	[tilespmem:s13], [sflag:$0x2] =	stream.indirect.gather [hbm4b:s3+s12], $0x20, s29, s12, $0xb8;
	[tilespmem:$0x13800] =	vst v63  }
0xdf: {  	s4 =	simm.s32 $0xCDC0;
	s29 =	sadd.s32 $0xA48, s0  }
0xe0: {  	[tilespmem:s4], [sflag:$0x2] =	stream.indirect.gather [hbm4b:s3+s12], $0x20, s29, s12, $0xb8;
	[tilespmem:$0x13800] =	vst v63  }
0xe1: {  	_ =	swait.ge [sflag:s14], $0x3200  }
0xe2: {  	[sflag:s14] =	ssyncset.done $0x0  }
0xe3: {  	s29 =	sadd.s32 $0xC80, s16;
	[sflag:s14] =	ssyncadd.s32 $0xFFFFCE00  }
0xe4: {  	[hbm4b:s29+s2] =	stream.linear.scatter [tilespmem:s24], [sflag:$0x7], $0x3200, $0x38;
	[tilespmem:$0x13800] =	vst v63  }
0xe5: {  	_ =	swait.ge [sflag:s18], $0x3200  }
0xe6: {  	[sflag:s18] =	ssyncset.done $0x0  }
0xe7: {  	s29 =	sadd.s32 $0xA80, s0;
	[sflag:s18] =	ssyncadd.s32 $0xFFFFCE00  }
0xe8: {  	[tilespmem:s24], [sflag:$0x3] =	stream.indirect.gather [hbm4b:s3+s12], $0x20, s29, s12, $0xb8;
	[tilespmem:$0x13800] =	vst v63  }
0xe9: {  	s4 =	simm.s32 $0xDA40;
	s29 =	sadd.s32 $0xAB8, s0  }
0xea: {  	[tilespmem:s4], [sflag:$0x3] =	stream.indirect.gather [hbm4b:s3+s12], $0x20, s29, s12, $0xb8;
	[tilespmem:$0x13800] =	vst v63  }
0xeb: {  	s29 =	sadd.s32 $0xAF0, s0;
	s4 =	simm.s32 $0xE080  }
0xec: {  	[tilespmem:s4], [sflag:$0x3] =	stream.indirect.gather [hbm4b:s3+s12], $0x20, s29, s12, $0xb8;
	[tilespmem:$0x13800] =	vst v63  }
0xed: {  	s29 =	sadd.s32 $0xB28, s0;
	s4 =	simm.s32 $0xE6C0  }
0xee: {  	[tilespmem:s4], [sflag:$0x3] =	stream.indirect.gather [hbm4b:s3+s12], $0x20, s29, s12, $0xb8;
	[tilespmem:$0x13800] =	vst v63  }
0xef: {  	s29 =	sadd.s32 $0xB60, s0;
	s4 =	simm.s32 $0xED00  }
0xf0: {  	[tilespmem:s4], [sflag:$0x3] =	stream.indirect.gather [hbm4b:s3+s12], $0x20, s29, s12, $0xb8;
	[tilespmem:$0x13800] =	vst v63  }
0xf1: {  	s29 =	sadd.s32 $0xB98, s0;
	s4 =	simm.s32 $0xF340  }
0xf2: {  	[tilespmem:s4], [sflag:$0x3] =	stream.indirect.gather [hbm4b:s3+s12], $0x20, s29, s12, $0xb8;
	[tilespmem:$0x13800] =	vst v63  }
0xf3: {  	s29 =	sadd.s32 $0xBD0, s0;
	s4 =	simm.s32 $0xF980  }
0xf4: {  	[tilespmem:s4], [sflag:$0x3] =	stream.indirect.gather [hbm4b:s3+s12], $0x20, s29, s12, $0xb8;
	[tilespmem:$0x13800] =	vst v63  }
0xf5: {  	s29 =	sadd.s32 $0xC08, s0;
	s4 =	simm.s32 $0xFFC0  }
0xf6: {  	[tilespmem:s4], [sflag:$0x3] =	stream.indirect.gather [hbm4b:s3+s12], $0x20, s29, s12, $0xb8;
	[tilespmem:$0x13800] =	vst v63  }
0xf7: {  	_ =	swait.ge [sflag:s22], $0x3200  }
0xf8: {  	[sflag:s22] =	ssyncset.done $0x0  }
0xf9: {  	s29 =	sadd.s32 $0x12C0, s16;
	[sflag:s22] =	ssyncadd.s32 $0xFFFFCE00  }
0xfa: {  	[hbm4b:s29+s2] =	stream.linear.scatter [tilespmem:s8], [sflag:$0x8], $0x3200, $0x38;
	[tilespmem:$0x13800] =	vst v63  }
0xfb: {  	_ =	swait.ge [sflag:s26], $0x3200  }
0xfc: {  	[sflag:s26] =	ssyncset.done $0x0  }
0xfd: {  	s29 =	sadd.s32 $0xC40, s0;
	[sflag:s26] =	ssyncadd.s32 $0xFFFFCE00  }
0xfe: {  	[tilespmem:s8], [sflag:$0x4] =	stream.indirect.gather [hbm4b:s3+s12], $0x20, s29, s12, $0xb8;
	[tilespmem:$0x13800] =	vst v63  }
0xff: {  	s4 =	simm.s32 $0x10C40;
	s29 =	sadd.s32 $0xC78, s0  }
0x100: {  	[tilespmem:s4], [sflag:$0x4] =	stream.indirect.gather [hbm4b:s3+s12], $0x20, s29, s12, $0xb8;
	[tilespmem:$0x13800] =	vst v63  }
0x101: {  	s29 =	sadd.s32 $0xCB0, s0;
	s4 =	simm.s32 $0x11280  }
0x102: {  	[tilespmem:s4], [sflag:$0x4] =	stream.indirect.gather [hbm4b:s3+s12], $0x20, s29, s12, $0xb8;
	[tilespmem:$0x13800] =	vst v63  }
0x103: {  	s29 =	sadd.s32 $0xCE8, s0;
	s4 =	simm.s32 $0x118C0  }
0x104: {  	[tilespmem:s4], [sflag:$0x4] =	stream.indirect.gather [hbm4b:s3+s12], $0x20, s29, s12, $0xb8;
	[tilespmem:$0x13800] =	vst v63  }
0x105: {  	s29 =	sadd.s32 $0xD20, s0;
	s4 =	simm.s32 $0x11F00  }
0x106: {  	[tilespmem:s4], [sflag:$0x4] =	stream.indirect.gather [hbm4b:s3+s12], $0x20, s29, s12, $0xb8;
	[tilespmem:$0x13800] =	vst v63  }
.Ltmp0:
0x107: {  	s29 =	sadd.s32 $0xD58, s0;
	s4 =	simm.s32 $0x12540;
	(pc) =	sbr.rel @p0 .LBB2_2-.Ltmp0, $4  }
0x108: {  	[tilespmem:s4], [sflag:$0x4] =	stream.indirect.gather [hbm4b:s3+s12], $0x20, s29, s12, $0xb8;
	[tilespmem:$0x13800] =	vst v63  }
0x109: {  	s29 =	sadd.s32 $0xD90, s0;
	s4 =	simm.s32 $0x12B80  }
0x10a: {  	[tilespmem:s4], [sflag:$0x4] =	stream.indirect.gather [hbm4b:s3+s12], $0x20, s29, s12, $0xb8;
	[tilespmem:$0x13800] =	vst v63  }
0x10b: {  	s16 =	sadd.s32 $0x1900, s16;
	s0 =	sadd.s32 $0xDC8, s0  }
0x10c: {  	s4 =	simm.s32 $0x131C0  }
0x10d: {  	[tilespmem:s4], [sflag:$0x4] =	stream.indirect.gather [hbm4b:s3+s12], $0x20, s0, s12, $0xb8;
	[tilespmem:$0x13800] =	vst v63  }
0x10e: {  	_ =	swait.ge [sflag:s23], $0x3200  }
0x10f: {  	[sflag:s23] =	ssyncset.done $0x0  }
0x110: {  	s17 =	rddreg [dreg:$0x4];
	[sflag:s23] =	ssyncadd.s32 $0xFFFFCE00  }
0x111: {  	[hbm4b:s17+s2] =	stream.linear.scatter [tilespmem:s30], [sflag:$0x5], $0x3200, $0x38;
	[tilespmem:$0x13800] =	vst v63  }
0x112: {  	_ =	swait.ge [sflag:s25], $0x3200  }
0x113: {  	[sflag:s25] =	ssyncset.done $0x0  }
0x114: {  	[sflag:s25] =	ssyncadd.s32 $0xFFFFCE00  }
0x115: {  	_ =	swait.ge [sflag:s28], $0x3200  }
0x116: {  	[sflag:s28] =	ssyncset.done $0x0  }
0x117: {  	s19 =	rddreg [dreg:$0x5];
	[sflag:s28] =	ssyncadd.s32 $0xFFFFCE00  }
0x118: {  	[hbm4b:s19+s2] =	stream.linear.scatter [tilespmem:s20], [sflag:$0x6], $0x3200, $0x38;
	[tilespmem:$0x13800] =	vst v63  }
0x119: {  	_ =	swait.ge [sflag:s1], $0x3200  }
0x11a: {  	[sflag:s1] =	ssyncset.done $0x0  }
0x11b: {  	[sflag:s1] =	ssyncadd.s32 $0xFFFFCE00  }
0x11c: {  	_ =	swait.ge [sflag:s14], $0x3200  }
0x11d: {  	[sflag:s14] =	ssyncset.done $0x0  }
0x11e: {  	s20 =	rddreg [dreg:$0x6];
	[sflag:s14] =	ssyncadd.s32 $0xFFFFCE00  }
0x11f: {  	[hbm4b:s20+s2] =	stream.linear.scatter [tilespmem:s24], [sflag:$0x7], $0x3200, $0x38;
	[tilespmem:$0x13800] =	vst v63  }
0x120: {  	_ =	swait.ge [sflag:s18], $0x3200  }
0x121: {  	[sflag:s18] =	ssyncset.done $0x0  }
0x122: {  	[sflag:s18] =	ssyncadd.s32 $0xFFFFCE00  }
0x123: {  	_ =	swait.ge [sflag:s22], $0x3200  }
0x124: {  	[sflag:s22] =	ssyncset.done $0x0  }
0x125: {  	s21 =	rddreg [dreg:$0x7];
	[sflag:s22] =	ssyncadd.s32 $0xFFFFCE00  }
0x126: {  	[hbm4b:s21+s2] =	stream.linear.scatter [tilespmem:s8], [sflag:$0x8], $0x3200, $0x38;
	[tilespmem:$0x13800] =	vst v63  }
0x127: {  	_ =	swait.ge [sflag:s26], $0x3200  }
0x128: {  	s29 =	rddreg [dreg:$0xa]  }
0x129: {  	s5 =	simm.s32 $0x82C0;
	s30 =	rddreg [dreg:$0x8];
	s29 =	sadd.s32 $0x1, s29  }
0x12a: {  	s6 =	simm.s32 $0x8900;
	s7 =	simm.s32 $0x8F40;
	p0 =	sne.s32 s29, s30  }
.Ltmp1:
0x12b: {  	s9 =	simm.s32 $0x9580;
	s11 =	simm.s32 $0x9BC0;
	(pc) =	sbr.rel @p0 .LBB2_1-.Ltmp1, $4  }
0x12c: {  	s10 =	simm.s32 $0xA840;
	s15 =	simm.s32 $0xAE80;
	s13 =	simm.s32 $0xC780  }
0x12d: {  	s31 =	simm.s32 $0xCDC0;
	s16 =	simm.s32 $0xDA40;
	s4 =	simm.s32 $0x7C80  }
0x12e: {  	s17 =	simm.s32 $0xB4C0;
	s19 =	simm.s32 $0xBB00;
	[sflag:s26] =	ssyncset.done $0x0  }
0x12f: {  	s20 =	simm.s32 $0x7640;
	s21 =	simm.s32 $0xC140;
	[sflag:s26] =	ssyncadd.s32 $0xFFFFCE00  }
0x130: {  	_ =	sfence.sel $0x180000  }
0x131: {  	[bflag:$0x0] =	sbarrier.arrive $0xFFFF  }
0x132: {  	_ =	strace $0x90000047  }
0x133: {  	s0 =	stileid.u32;
	[bflag:$0x2] =	sbarrier.arrive $0xFFFF  }
0x134: {  	p0 =	sne.s32 s0, $0x0;
	s0 =	rddreg [dreg:$0x2]  }
0x135: {  	s0 =	sadd.s32 @!p0 $0x100000, s0  }
0x136: {  	[sflag:s0] =	ssyncadd.tile.s32 @!p0 $0x1;
	_ =	shalt  }
.Lfunc_end2:
_tile_overlayer_lowered:
.L_overlay_start_2:
0x137: {  	(tag) =	ssettag $0x2  }
0x138: {  	s0 =	rddreg [dreg:$0x0];
	s2 =	stileid.u32  }
0x139: {  	s1 =	rddreg [dreg:$0x1];
	p0 =	sne.s32 s2, $0x0  }
0x13a: {  	s3 =	rddreg [dreg:$0x2];
	[bflag:$0x3] =	sbarrier.arrive $0xFFFF;
	s2 =	simm.s32 @!p0 $0x1C09  }
0x13b: {  	[timem:s3], [sflag:s2] =	dma.local @!p0 [hbm:s0], s1  }
0x13c: {  	s0 =	simm.s32 @!p0 $0x9  }
0x13d: {  	_ =	swait.ge @!p0 [sflag:s0], s1  }
0x13e: {  	s1 =	ssub.s32 @!p0 $0x0, s1;
	[sflag:s0] =	ssyncset.done @!p0 $0x0  }
0x13f: {  	[sflag:s0] =	ssyncadd.s32 @!p0 s1  }
0x140: {  	[bflag:$0x3] =	sbarrier.arrive $0xFFFF  }
0x141: {  	_ =	shalt  }

// kernel: sparse-core-data-format-call.cloned.1.call-start
scs
called_computation_lowered:
.L_overlay_start_0:
0x0: {  	s2 =	sld [smem:$0x3FD9]  }
0x1: {  	s3 =	sld [smem:$0x3FFE];
	_ =	sdelay $0x1  }
0x2: {  	s1 =	srdreg.scid  }
0x3: {  	s0 =	sand.u32 $0x1, s1  }
0x4: {  	s18 =	sshll.u32 s0, $0xA;
	s2 =	sadd.s32 s3, s2  }
0x5: {  	s2 =	sadd.s32 s2, s18  }
0x6: {  	[smem:$0x3FC6] =	sst s2  }
0x7: {  	_ = 	snop  }
0x8: {  	s2 =	sld [smem:$0x3FD0];
	(tm) =	ssettm $0x1  }
0x9: {  	s19 =	sld [smem:$0x3FFB];
	_ =	sdelay $0x3  }
0xa: {  	_ =	strace s19  }
0xb: {  	s3 =	sld [smem:$0x3FFC];
	_ =	sdelay $0x3  }
0xc: {  	_ =	strace s3  }
0xd: {  	s3 =	sld [smem:$0x3FFD];
	_ =	sdelay $0x3  }
0xe: {  	_ =	strace s3  }
0xf: {  	_ =	strace $0x8FFFFFFF  }
0x10: {  	s20 =	sld [smem:$0x3FDB];
	_ =	sdelay $0x1  }
0x11: {  	s4 =	simm.s32 $_scs_section_size  }
0x12: {  	s5 =	simm.s32 $_size__tile_overlayer_lowered;
	s6 =	simm.s32 $_tile_overlayer_lowered  }
0x13: {  	s23 =	simm.s32 $0x1BFF;
	s22 =	sshll.u32 s6, $0x1;
	s3 =	sadd.s32 s4, s20  }
0x14: {  	s7 =	simm.s32 $0x0;
	s21 =	sshll.u32 s5, $0x1;
	s5 =	sadd.s32 s22, s3  }
0x15: {  	[timem:s7], [sflag:s23] =	dma.local [hbm:s5], s21  }
0x16: {  	_ =	swait.ge [sflag:s23], s21  }
0x17: {  	s4 =	ssub.s32 $0x0, s21;
	[sflag:s23] =	ssyncset.done $0x0  }
0x18: {  	[sflag:s23] =	ssyncadd.s32 s4;
	_ =	sdelay $0x1  }
0x19: {  	s24 =	simm.s32 $0x1B8B  }
0x1a: {  	_ =	swait.ge [sflag:s24], $0x1  }
0x1b: {  	[sflag:s24] =	ssyncset.done $0x0  }
0x1c: {  	s26 =	simm.s32 $0x1B8E;
	s25 =	sld [smem:$0x3FFE];
	[sflag:s24] =	ssyncadd.s32 $0xFFFFFFFF  }
0x1d: {  	s27 =	simm.s32 $execute0_lowered;
	[smem:$0x3FD2] =	sst s26  }
0x1e: {  	s5 =	sshll.u32 s27, $0x1;
	_ =	strace $0x80000049;
	[dreg:$0x1] =	wrdreg $0xFFFFFFFF  }
0x1f: {  	s28 =	simm.s32 $_size_execute0_lowered;
	s3 =	sadd.s32 s3, s5;
	[dreg:$0x0] =	wrdreg $0x0  }
0x20: {  	s5 =	sshll.u32 s28, $0x1;
	[dreg:$0x2] =	wrdreg s3  }
0x21: {  	[dreg:$0x3] =	wrdreg s5  }
0x22: {  	[dreg:$0x4] =	wrdreg $0xC0  }
0x23: {  	_ =	task [dreg:s7], $0x5FFFF  }
0x24: {  	[dreg:$0x1] =	wrdreg $0xFFFFFFFF  }
0x25: {  	[dreg:$0x0] =	wrdreg $0x60  }
0x26: {  	[dreg:$0x2] =	wrdreg s25  }
0x27: {  	[dreg:$0x3] =	wrdreg s2  }
0x28: {  	[dreg:$0x4] =	wrdreg $0x9  }
0x29: {  	_ =	task.clear_ibuf [dreg:s7], $0x5FFFF;
	_ =	strace $0x90000049  }
0x2a: {  	s29 =	simm.s32 $0x9;
	_ =	strace $0x8000004B  }
0x2b: {  	_ =	swait.ge [sflag:s29], $0x1  }
0x2c: {  	[sflag:s29] =	ssyncadd.s32 $0xFFFFFFFF  }
0x2d: {  	_ =	strace $0x9000004B  }
0x2e: {  	_ =	sfence  }
0x2f: {  	s30 =	sld [smem:$0x0];
	_ =	sdelay $0x2  }
0x30: {  	s31 =	sshll.u32 s1, $0xD;
	s1 =	sshrl.u32 s1, $0x2  }
0x31: {  	s3 =	sand.u32 $0x4000, s31;
	s1 =	sadd.s32 s1, s30  }
0x32: {  	s0 =	sor.u32 s3, s0;
	s1 =	sshll.u32 s1, $0x11  }
0x33: {  	s0 =	sor.u32 s1, s0  }
0x34: {  	s0 =	sadd.s32 $0x8F2B, s0  }
0x35: {  	[sflag:s0] =	ssyncadd.remote.s32 $0x1  }
0x36: {  	_ =	sfence.sel $0xFFFF  }
0x37: {  	[dreg:$0x0] =	wrdreg $0xFFFFFFFF;
	(pc) =	sbr.abs _section_cstart, $3  }
0x38: {  	[dreg:$0x1] =	wrdreg $0xFFFFFFFF  }
0x39: {  	_ =	task.clear_ibuf [dreg:s7], $0x2FFFF;
	_ =	strace $0x9FFFFFFF  }
0x3a: {  	(tm) =	ssettm $0x7FFFFFFF  }
0x3b: {  	_ =	shalt  }
tec
execute0_lowered:
.L_overlay_start_1:
0x0: {  	(tag) =	ssettag $0x1  }
0x1: {  	s0 =	srdreg.scid  }
0x2: {  	s1 =	sshll.u32 s0, $0x4  }
0x3: {  	s0 =	stileid.u32;
	s1 =	sand.u32 $0x10, s1  }
0x4: {  	s1 =	sor.u32 s0, s1  }
0x5: {  	s6 =	rddreg [dreg:$0x0];
	s4 =	simm.s32 $0x1;
	s2 =	sshll.u32 s1, $0x7  }
0x6: {  	s7 =	simm.s32 $0x2;
	s12 =	simm.s32 $0x0;
	s1 =	ssub.s32 $0x4000, s2  }
0x7: {  	s8 =	simm.s32 $0x20000;
	s13 =	simm.s32 $0x0;
	s3 =	sand.u32 $0xF80, s1  }
0x8: {  	s9 =	simm.s32 $0x0;
	s5 =	sshrl.u32 s1, $0xC;
	p0 =	sne.s32 s3, $0x0  }
.Ltmp0:
0x9: {  	s1 =	rddreg [dreg:$0x2];
	s4 =	simm.s32 @!p0 $0x0;
	(pc) =	sbr.rel .LBB1_1-.Ltmp0, $4  }
0xa: {  	s11 =	simm.s32 $0x0;
	s3 =	rddreg [dreg:$0x1];
	s5 =	sadd.s32 s4, s5  }
0xb: {  	_ =	strace $0x8000004A;
	s4 =	simm.s32 $0x1;
	s5 =	smul.u32 $0x32, s5  }
0xc: {  	s6 =	sadd.s32 $0xA00, s6;
	s10 =	smov.u32 s2;
	[sflag:s4] =	ssyncpa.u1 $0x0  }
0xd: {  	p0 =	por $0x0, $0x0;
	[sflag:s7] =	ssyncpa.u1 $0x0;
	s7 =	sor.u32 $0x1, s5  }
.LBB1_4:
0xe: {  	s16 =	sshll.u32 s13, $0x3;
	s17 =	sand.u32 $0x78, s13  }
0xf: {  	s30 =	sand.u32 $0xF800, s13;
	s12 =	sshll.u32 s12, $0x10;
	s16 =	sand.u32 $0x3C00, s16  }
0x10: {  	s31 =	sand.u32 $0x7, s13;
	s16 =	sor.u32 s17, s16;
	s17 =	sadd.s32 s3, s30  }
0x11: {  	s13 =	sshll.u32 s31, $0x12;
	s16 =	sshrl.u32 s16, $0x3;
	s12 =	sadd.s32 s12, s17  }
0x12: {  	[tilespmem:s15+$0x0 ss:$0x81] =	vst.msk $0xffff, v0;
	s13 =	sor.u32 $0x400, s13;
	s12 =	sadd.s32 s16, s12  }
0x13: {  	[hbm4b:s12+s13] =	stream.strided.scatter [tilespmem:s14], [sflag:$0x2], $0x1000, s8, s13, $0x20;
	[tilespmem:$0x4040] =	vst v63  }
.LBB1_5:
0x14: {  	s14 =	sadd.s32 $0x1, s9  }
0x15: {  	s12 =	sadd.s32 $0x1000, s10;
	s16 =	smov.u32 s10;
	p2 =	sgt.s32 s14, $0x31  }
0x16: {  	s16 =	smov.u32 @p2 s12  }
0x17: {  	s14 =	simm.s32 @p2 $0x0;
	p2 =	sgt.s32 s16, $0x3FFF  }
0x18: {  	s16 =	smov.u32 @p2 s2;
	p2 =	sne.s32 s11, s7  }
.Ltmp1:
0x19: {  	p1 =	slt.u32 s11, $0x2;
	(pc) =	sbr.rel @!p2 .LBB1_6-.Ltmp1, $4  }
0x1a: {  	s15 =	simm.s32 @!p1 $0x2  }
0x1b: {  	s13 =	smov.u32 s10;
	p0 =	por !p0, !p0;
	_ =	swait.ge @!p1 [sflag:s15], $0x1000  }
0x1c: {  	s12 =	smov.u32 s9;
	[sflag:s15] =	ssyncset.done @!p1 $0x0;
	s9 =	smov.u32 s14  }
0x1d: {  	s11 =	sadd.s32 $0x1, s11;
	[sflag:s15] =	ssyncadd.s32 @!p1 $0xFFFFF000;
	s10 =	smov.u32 s16  }
.LBB1_1:
0x1e: {  	p1 =	sge.u32 s11, s5  }
0x1f: {  	s14 =	sand.u32 @!p1 $0x1FFFFFF, s9  }
0x20: {  	s15 =	smulhi.u32 @!p1 $0x4924925, s14;
	_ =	sdelay $0x1  }
0x21: {  	s15 =	smul.u32 @!p1 $0x38, s15  }
0x22: {  	s16 =	sxor.u32 @!p1 $0xFFFFFFFF, s11;
	s17 =	smul.u32 @!p1 $0x380, s10  }
0x23: {  	s31 =	sadd.s32 $0xFFFFFFFF, s11;
	s16 =	sshll.u32 @!p1 s16, $0xC;
	s14 =	ssub.s32 @!p1 s14, s15  }
0x24: {  	s15 =	sand.u32 @!p1 $0x1000, s16;
	s16 =	sadd.s32 @!p1 s6, s17;
	s14 =	sshll.u32 @!p1 s14, $0x4  }
0x25: {  	s17 =	simm.s32 @!p1 $0x1C00;
	s14 =	sadd.s32 @!p1 s14, s16;
	s16 =	simm.s32 @!p1 $0x20  }
0x26: {  	[tilespmem:s15], [sflag:$0x1] =	stream.strided.gather @!p1 [hbm4b:s14+s16], $0x1000, s17, s16, $0x38;
	[tilespmem:$0x4040] =	vst v63  }
0x27: {  	p1 =	sge.u32 s31, s5  }
.Ltmp2:
0x28: {  	_ = 	snop;
	(pc) =	sbr.rel @p1 .LBB1_5-.Ltmp2, $1  }
0x29: {  	_ =	sdelay $0x3  }
0x2a: {  	s14 =	simm.s32 $0x1  }
0x2b: {  	_ =	swait.ge [sflag:s4], $0x1000;
	s14 =	simm.s32 @!p0 $0x0  }
0x2c: {  	[sflag:s4] =	ssyncset.done $0x0;
	s15 =	sshll.u32 s14, $0xC  }
0x2d: {  	[sflag:s4] =	ssyncadd.s32 $0xFFFFF000;
	s18 =	sor.u32 $0x10, s15  }
0x2e: {  	s14 =	smul.u32 $0x4080, s14;
	v1 =	vld [tilespmem:s18+$0x0]  }
0x2f: {  	s30 =	sand.u32 $0x1, s11;
	v0 =	vld [tilespmem:s18+$0xFFFFFFF0]  }
0x30: {  	s15 =	smul.u32 $0x4080, s30;
	s14 =	sshrl.u32 s14, $0x2  }
0x31: {  	s16 =	sor.u32 $0x2000, s14  }
0x32: {  	s31 =	sshrl.u32 s15, $0x2;
	s15 =	sadd.s32 $0x0, s16  }
0x33: {  	s17 =	simm.s32 $0x4;
	s18 =	sadd.s32 $0x20, s18;
	s14 =	sor.u32 $0x2000, s31;
	[tilespmem:s15+$0x810 ss:$0x81] =	vst.msk $0xffff, v1  }
.LBB1_3:
0x34: {  	v1 =	vld [tilespmem:s18+$0x0];
	p1 =	sne.s32 s17, $0x1FC;
	[tilespmem:s15+$0x0 ss:$0x81] =	vst.msk $0xffff, v0;
	s15 =	smov.u32 s17;
	s17 =	sadd.s32 $0x4, s17  }
.Ltmp3:
0x35: {  	v0 =	vld [tilespmem:s18+$0xFFFFFFF0];
	(pc) =	sbr.rel @p1 .LBB1_3-.Ltmp3, $4  }
0x36: {  	_ = 	snop  }
0x37: {  	s15 =	sshra.s32 s15, $0x2  }
0x38: {  	s15 =	sadd.s32 s15, s16  }
0x39: {  	s18 =	sadd.s32 $0x20, s18;
	[tilespmem:s15+$0x810 ss:$0x81] =	vst.msk $0xffff, v1  }
.Ltmp4:
0x3a: {  	_ = 	snop;
	(pc) =	sbr.rel .LBB1_4-.Ltmp4, $1  }
0x3b: {  	_ =	sdelay $0x3  }
.LBB1_6:
0x3c: {  	_ =	sfence.sel $0x180000  }
0x3d: {  	s2 =	simm.s32 $0x1;
	[bflag:$0x0] =	sbarrier.arrive $0xFFFF  }
0x3e: {  	s31 =	simm.s32 $0x2;
	[sflag:s2] =	ssyncpa.u1 $0x1  }
0x3f: {  	[sflag:s31] =	ssyncpa.u1 $0x1  }
0x40: {  	p0 =	sne.s32 s0, $0x0;
	_ =	strace $0x9000004A  }
0x41: {  	s0 =	sadd.s32 @!p0 $0x100000, s1;
	[bflag:$0x2] =	sbarrier.arrive $0xFFFF  }
0x42: {  	[sflag:s0] =	ssyncadd.tile.s32 @!p0 $0x1;
	_ =	shalt  }
.Lfunc_end1:
_tile_overlayer_lowered:
.L_overlay_start_2:
0x43: {  	(tag) =	ssettag $0x2  }
0x44: {  	s0 =	rddreg [dreg:$0x0];
	s2 =	stileid.u32  }
0x45: {  	s1 =	rddreg [dreg:$0x1];
	p0 =	sne.s32 s2, $0x0  }
0x46: {  	s3 =	rddreg [dreg:$0x2];
	[bflag:$0x3] =	sbarrier.arrive $0xFFFF;
	s2 =	simm.s32 @!p0 $0x1C01  }
0x47: {  	[timem:s3], [sflag:s2] =	dma.local @!p0 [hbm:s0], s1  }
0x48: {  	s0 =	simm.s32 @!p0 $0x1  }
0x49: {  	_ =	swait.ge @!p0 [sflag:s0], s1  }
0x4a: {  	s1 =	ssub.s32 @!p0 $0x0, s1;
	[sflag:s0] =	ssyncset.done @!p0 $0x0  }
0x4b: {  	[sflag:s0] =	ssyncadd.s32 @!p0 s1  }
0x4c: {  	[bflag:$0x3] =	sbarrier.arrive $0xFFFF  }
0x4d: {  	_ =	shalt  }

</sc_bundles>
